<compile_context>
chip_gen: v7x
topology: tpu7x:2x2x1
jax: 0.10.2.dev20260603
libtpu: 0.0.44.dev20260713+nightly
codegen_flags: <defaults>
</compile_context>

<pallas_src>
import functools

import jax
import jax.numpy as jnp
from jax import lax
from jax.experimental import pallas as pl
from jax.experimental.pallas import tpu as pltpu
from jax.experimental.pallas import tpu_sc as plsc

TOKENS = 2048
IN_FEAT = 1024
OUT_FEAT = 1024
NUM_EXPERT = 8

TILE = 512
NT = TOKENS // TILE
NS = NT + NUM_EXPERT - 1

NW = 32
ROWS_PER_W = TOKENS // NW


def _meta_body(gate_ref, pos_ref, tile_ref, eid_ref, lo_ref, hi_ref, first_ref):
    g = gate_ref[...]
    eids = lax.broadcasted_iota(jnp.int32, (NUM_EXPERT, TOKENS), 0)
    oh = (jnp.broadcast_to(g, (NUM_EXPERT, TOKENS)) == eids).astype(jnp.int32)
    incl = oh
    n = 1
    while n < TOKENS:
        incl = incl + jnp.concatenate(
            [jnp.zeros((NUM_EXPERT, n), jnp.int32), incl[:, : TOKENS - n]], axis=1)
        n *= 2
    counts = [jnp.sum(oh[e : e + 1]) for e in range(NUM_EXPERT)]
    offs = []
    acc = jnp.int32(0)
    for e in range(NUM_EXPERT):
        offs.append(acc)
        acc = acc + counts[e]
    pos = jnp.zeros((1, TOKENS), jnp.int32)
    for e in range(NUM_EXPERT):
        pos = pos + jnp.where(oh[e : e + 1] == 1, offs[e] + incl[e : e + 1] - 1, 0)
    pos_ref[...] = pos

    k = jnp.int32(0)
    prev_tile = jnp.int32(-1)
    last_eid = jnp.int32(0)
    for t in range(NT):
        for e in range(NUM_EXPERT):
            seg_lo = offs[e]
            seg_hi = offs[e] + counts[e]
            lo = jnp.maximum(jnp.int32(t * TILE), seg_lo)
            hi = jnp.minimum(jnp.int32(t * TILE + TILE), seg_hi)
            valid = hi > lo

            @pl.when(valid)
            def _(k=k, t=t, e=e, lo=lo, hi=hi, prev_tile=prev_tile):
                tile_ref[k] = jnp.int32(t)
                eid_ref[k] = jnp.int32(e)
                lo_ref[k] = lo
                hi_ref[k] = hi
                first_ref[k] = jnp.where(prev_tile != t, 1, 0).astype(jnp.int32)

            prev_tile = jnp.where(valid, t, prev_tile)
            last_eid = jnp.where(valid, e, last_eid)
            k = k + valid.astype(jnp.int32)
    for s in range(NT, NS):

        @pl.when(s >= k)
        def _(s=s, last_eid=last_eid):
            tile_ref[s] = jnp.int32(NT - 1)
            eid_ref[s] = last_eid
            lo_ref[s] = jnp.int32(0)
            hi_ref[s] = jnp.int32(0)
            first_ref[s] = jnp.int32(0)


def _routing_metadata(gate):
    g2 = gate.astype(jnp.int32).reshape(1, TOKENS)
    smem = pl.BlockSpec(memory_space=pltpu.SMEM)
    i32 = jnp.int32
    outs = pl.pallas_call(
        _meta_body,
        out_shape=(
            jax.ShapeDtypeStruct((1, TOKENS), i32),
            jax.ShapeDtypeStruct((NS,), i32),
            jax.ShapeDtypeStruct((NS,), i32),
            jax.ShapeDtypeStruct((NS,), i32),
            jax.ShapeDtypeStruct((NS,), i32),
            jax.ShapeDtypeStruct((NS,), i32),
        ),
        out_specs=(pl.BlockSpec(memory_space=pltpu.VMEM),
                   smem, smem, smem, smem, smem),
    )(g2)
    pos2, step_tile, step_eid, step_lo, step_hi, step_first = outs
    return pos2.reshape(TOKENS), step_tile, step_eid, step_lo, step_hi, step_first


def _sc_permute(table, idx, scatter):
    mesh = plsc.VectorSubcoreMesh(core_axis_name="c", subcore_axis_name="s")

    @functools.partial(
        pl.kernel, mesh=mesh,
        out_type=jax.ShapeDtypeStruct(table.shape, table.dtype),
        scratch_types=[
            pltpu.VMEM((ROWS_PER_W,), jnp.int32),
            pltpu.VMEM((ROWS_PER_W, table.shape[1]), table.dtype),
            pltpu.SemaphoreType.DMA,
        ],
    )
    def k(table_hbm, idx_hbm, out_hbm, idx_v, rows_v, sem):
        wid = lax.axis_index("s") * 2 + lax.axis_index("c")
        base = wid * ROWS_PER_W
        pltpu.sync_copy(idx_hbm.at[pl.ds(base, ROWS_PER_W)], idx_v)
        if scatter:
            pltpu.sync_copy(table_hbm.at[pl.ds(base, ROWS_PER_W)], rows_v)
            pltpu.async_copy(rows_v, out_hbm.at[idx_v], sem).wait()
        else:
            pltpu.async_copy(table_hbm.at[idx_v], rows_v, sem).wait()
            pltpu.sync_copy(rows_v, out_hbm.at[pl.ds(base, ROWS_PER_W)])

    return k(table, idx)


def _mm_body(tile_ref, eid_ref, lo_ref, hi_ref, first_ref, x_ref, w_ref, o_ref):
    s = pl.program_id(0)
    row = tile_ref[s] * TILE + lax.broadcasted_iota(jnp.int32, (TILE, 1), 0)
    mask = (row >= lo_ref[s]) & (row < hi_ref[s])
    xm = jnp.where(mask, x_ref[...], 0.0)
    contrib = lax.dot_general(xm, w_ref[0], (((1,), (1,)), ((), ())),
                              preferred_element_type=jnp.float32)

    @pl.when(first_ref[s] == 1)
    def _():
        o_ref[...] = contrib

    @pl.when(first_ref[s] == 0)
    def _():
        o_ref[...] += contrib


def _grouped_matmul(xs, weight, step_tile, step_eid, step_lo, step_hi, step_first):
    grid_spec = pltpu.PrefetchScalarGridSpec(
        num_scalar_prefetch=5,
        grid=(NS,),
        in_specs=[
            pl.BlockSpec((TILE, IN_FEAT), lambda s, t, e, lo, hi, f: (t[s], 0)),
            pl.BlockSpec((1, OUT_FEAT, IN_FEAT), lambda s, t, e, lo, hi, f: (e[s], 0, 0)),
        ],
        out_specs=pl.BlockSpec((TILE, OUT_FEAT), lambda s, t, e, lo, hi, f: (t[s], 0)),
    )
    return pl.pallas_call(
        _mm_body,
        grid_spec=grid_spec,
        out_shape=jax.ShapeDtypeStruct((TOKENS, OUT_FEAT), jnp.float32),
        compiler_params=pltpu.CompilerParams(dimension_semantics=("arbitrary",)),
    )(step_tile, step_eid, step_lo, step_hi, step_first, xs, weight)


def kernel(inp, gate, weight):
    pos, step_tile, step_eid, step_lo, step_hi, step_first = _routing_metadata(gate)
    xs = _sc_permute(inp, pos, scatter=True)
    ys = _grouped_matmul(xs, weight, step_tile, step_eid, step_lo, step_hi,
                         step_first)
    return _sc_permute(ys, pos, scatter=False)

# --- scband reference (transcript-rebuilt; emitter-appended) ---
"""Pipeline reference for scband-fmo-e-33767032881217 (READ-ONLY COPY).

The authoritative reference and input builder live on the scoring server;
editing this copy changes nothing except your own understanding.
"""

import jax, jax.numpy as jnp
import numpy as np

NUM_EXPERT = 8
IN_FEAT = 1024
OUT_FEAT = 1024
TOKENS = 2048


def setup_inputs(seed: int = 0) -> dict:
    key = jax.random.key(seed)
    k1, k2, k3 = jax.random.split(key, 3)
    inp = jax.random.normal(k1, (TOKENS, IN_FEAT), dtype=jnp.float32)
    gate = jax.random.randint(k2, (TOKENS,), 0, NUM_EXPERT, dtype=jnp.int64 if jax.config.jax_enable_x64 else jnp.int32).astype(jnp.int32)
    # nn.Linear default init ~ U(-1/sqrt(in_feat), 1/sqrt(in_feat))
    bound = 1.0 / np.sqrt(IN_FEAT)
    weight = jax.random.uniform(k3, (NUM_EXPERT, OUT_FEAT, IN_FEAT), dtype=jnp.float32, minval=-bound, maxval=bound)
    return {"inp": inp, "gate": gate, "weight": weight}


def reference(inp, gate, weight):
    # FMoE forward: out[t] = weight[gate[t]] @ inp[t]
    # Compute all-expert outputs then select per token (faithful math,
    # avoids materializing per-token gathered weight tensors).
    g = gate.astype(jnp.int32)
    all_out = jnp.einsum('ti,eoi->teo', inp, weight)  # [T, E, O]
    out = jnp.take_along_axis(all_out, g[:, None, None], axis=1)[:, 0, :]  # [T, O]
    return out

if __name__ == "__main__":
    import jax
    _d = setup_inputs()
    print(jax.jit(kernel)(*tuple(_d.values())))

</pallas_src>

<mosaic_0001>
#map = affine_map<(d0, d1) -> (0, 0)>
#map1 = affine_map<(d0, d1) -> (0)>
module attributes {stable_mosaic.version = 14 : i64} {
  func.func @k(%arg0: i32, %arg1: i32, %arg2: memref<2048x1024xf32, #tpu.memory_space<hbm>>, %arg3: memref<2048xi32, #tpu.memory_space<hbm>>, %arg4: memref<2048x1024xf32, #tpu.memory_space<hbm>>, %arg5: memref<64xi32, #tpu.memory_space<vmem>>, %arg6: memref<64x1024xf32, #tpu.memory_space<vmem>>, %arg7: memref<!tpu.dma_semaphore, #tpu.memory_space<semaphore_mem>>) attributes {dimension_semantics = [#tpu.dimension_semantics<core_parallel>, #tpu.dimension_semantics<subcore_parallel>], iteration_bounds = array<i64: 2, 16>, scalar_prefetch = 0 : i64, scratch_operands = 3 : i64, tpu.core_type = #tpu.core_type<sc_vector_subcore>, window_params = [{transform_indices = #map}, {transform_indices = #map1}, {transform_indices = #map}]} {
    %mul3A = arith.constant 2 : i32
    %mul3A_0 = arith.muli %arg1, %mul3A : i32
    %add3A = arith.addi %mul3A_0, %arg0 : i32
    %mul3A_1 = arith.constant 64 : i32
    %mul3A_2 = arith.muli %add3A, %mul3A_1 : i32
    "tpu.region"() ({
      %run_scoped3A = tpu.sem_alloc : memref<!tpu.dma_semaphore, #tpu.memory_space<semaphore_mem>>
      %dma_start3A_7 = tpu.memref_slice %arg3[%mul3A_2] : memref<2048xi32, #tpu.memory_space<hbm>> -> memref<64xi32, #tpu.memory_space<hbm>>
      %dma_start3A_8 = tpu.memref_slice %arg3[%mul3A_2] : memref<2048xi32, #tpu.memory_space<hbm>> -> memref<64xi32, #tpu.memory_space<hbm>>
      tpu.enqueue_dma source(%dma_start3A_8 : memref<64xi32, #tpu.memory_space<hbm>>) target(%arg5 : memref<64xi32, #tpu.memory_space<vmem>>) target_semaphore(%run_scoped3A : memref<!tpu.dma_semaphore, #tpu.memory_space<semaphore_mem>>)
      %dma_wait3A_9 = tpu.memref_slice %arg3[%mul3A_2] : memref<2048xi32, #tpu.memory_space<hbm>> -> memref<64xi32, #tpu.memory_space<hbm>>
      %dma_wait3A_10 = tpu.memref_slice %arg3[%mul3A_2] : memref<2048xi32, #tpu.memory_space<hbm>> -> memref<64xi32, #tpu.memory_space<hbm>>
      tpu.wait_dma2 semaphore(%run_scoped3A : memref<!tpu.dma_semaphore, #tpu.memory_space<semaphore_mem>>) src(%dma_wait3A_10 : memref<64xi32, #tpu.memory_space<hbm>>) dst(%arg5 : memref<64xi32, #tpu.memory_space<vmem>>)
      tpu.yield
    }) : () -> ()
    "tpu.region"() ({
      %run_scoped3A = tpu.sem_alloc : memref<!tpu.dma_semaphore, #tpu.memory_space<semaphore_mem>>
      %dma_start3A_7 = arith.constant 0 : i32
      %dma_start3A_8 = tpu.memref_slice %arg2[%mul3A_2, %dma_start3A_7] : memref<2048x1024xf32, #tpu.memory_space<hbm>> -> memref<64x1024xf32, #tpu.memory_space<hbm>>
      %dma_start3A_9 = arith.constant 0 : i32
      %dma_start3A_10 = tpu.memref_slice %arg2[%mul3A_2, %dma_start3A_9] : memref<2048x1024xf32, #tpu.memory_space<hbm>> -> memref<64x1024xf32, #tpu.memory_space<hbm>>
      tpu.enqueue_dma source(%dma_start3A_10 : memref<64x1024xf32, #tpu.memory_space<hbm>>) target(%arg6 : memref<64x1024xf32, #tpu.memory_space<vmem>>) target_semaphore(%run_scoped3A : memref<!tpu.dma_semaphore, #tpu.memory_space<semaphore_mem>>)
      %dma_wait3A_11 = arith.constant 0 : i32
      %dma_wait3A_12 = tpu.memref_slice %arg2[%mul3A_2, %dma_wait3A_11] : memref<2048x1024xf32, #tpu.memory_space<hbm>> -> memref<64x1024xf32, #tpu.memory_space<hbm>>
      %dma_wait3A_13 = arith.constant 0 : i32
      %dma_wait3A_14 = tpu.memref_slice %arg2[%mul3A_2, %dma_wait3A_13] : memref<2048x1024xf32, #tpu.memory_space<hbm>> -> memref<64x1024xf32, #tpu.memory_space<hbm>>
      tpu.wait_dma2 semaphore(%run_scoped3A : memref<!tpu.dma_semaphore, #tpu.memory_space<semaphore_mem>>) src(%dma_wait3A_14 : memref<64x1024xf32, #tpu.memory_space<hbm>>) dst(%arg6 : memref<64x1024xf32, #tpu.memory_space<vmem>>)
      tpu.yield
    }) : () -> ()
    %dma_start3A = arith.constant 0 : i32
    %dma_start3A_3 = arith.constant 0 : i32
    %dma_start3A_4 = tpu.memref_slice %arg4[%dma_start3A, %dma_start3A_3] : memref<2048x1024xf32, #tpu.memory_space<hbm>> -> memref<2048x1024xf32, #tpu.memory_space<hbm>>
    tpu.enqueue_indirect_dma source(%arg6 : memref<64x1024xf32, #tpu.memory_space<vmem>>) target(%dma_start3A_4 : memref<2048x1024xf32, #tpu.memory_space<hbm>>) offsets(%arg5 : memref<64xi32, #tpu.memory_space<vmem>>) semaphore(%arg7 : memref<!tpu.dma_semaphore, #tpu.memory_space<semaphore_mem>>)
    %dma_wait3A = arith.constant 0 : i32
    %dma_wait3A_5 = arith.constant 0 : i32
    %dma_wait3A_6 = tpu.memref_slice %arg4[%dma_wait3A, %dma_wait3A_5] : memref<2048x1024xf32, #tpu.memory_space<hbm>> -> memref<2048x1024xf32, #tpu.memory_space<hbm>>
    tpu.wait_indirect_dma semaphore(%arg7 : memref<!tpu.dma_semaphore, #tpu.memory_space<semaphore_mem>>) src(%arg6 : memref<64x1024xf32, #tpu.memory_space<vmem>>) dst(%dma_wait3A_6 : memref<2048x1024xf32, #tpu.memory_space<hbm>>)
    return
  }
}

#map = affine_map<(d0, d1) -> (0, 0)>
#map1 = affine_map<(d0, d1) -> (0)>
module attributes {stable_mosaic.version = 14 : i64} {
  func.func @k(%arg0: i32, %arg1: i32, %arg2: memref<2048x1024xf32, #tpu.memory_space<hbm>>, %arg3: memref<2048xi32, #tpu.memory_space<hbm>>, %arg4: memref<2048x1024xf32, #tpu.memory_space<hbm>>, %arg5: memref<64xi32, #tpu.memory_space<vmem>>, %arg6: memref<64x1024xf32, #tpu.memory_space<vmem>>, %arg7: memref<!tpu.dma_semaphore, #tpu.memory_space<semaphore_mem>>) attributes {dimension_semantics = [#tpu.dimension_semantics<core_parallel>, #tpu.dimension_semantics<subcore_parallel>], iteration_bounds = array<i64: 2, 16>, scalar_prefetch = 0 : i64, scratch_operands = 3 : i64, tpu.core_type = #tpu.core_type<sc_vector_subcore>, window_params = [{transform_indices = #map}, {transform_indices = #map1}, {transform_indices = #map}]} {
    %mul3A = arith.constant 2 : i32
    %mul3A_0 = arith.muli %arg1, %mul3A : i32
    %add3A = arith.addi %mul3A_0, %arg0 : i32
    %mul3A_1 = arith.constant 64 : i32
    %mul3A_2 = arith.muli %add3A, %mul3A_1 : i32
    "tpu.region"() ({
      %run_scoped3A = tpu.sem_alloc : memref<!tpu.dma_semaphore, #tpu.memory_space<semaphore_mem>>
      %dma_start3A_7 = tpu.memref_slice %arg3[%mul3A_2] : memref<2048xi32, #tpu.memory_space<hbm>> -> memref<64xi32, #tpu.memory_space<hbm>>
      %dma_start3A_8 = tpu.memref_slice %arg3[%mul3A_2] : memref<2048xi32, #tpu.memory_space<hbm>> -> memref<64xi32, #tpu.memory_space<hbm>>
      tpu.enqueue_dma source(%dma_start3A_8 : memref<64xi32, #tpu.memory_space<hbm>>) target(%arg5 : memref<64xi32, #tpu.memory_space<vmem>>) target_semaphore(%run_scoped3A : memref<!tpu.dma_semaphore, #tpu.memory_space<semaphore_mem>>)
      %dma_wait3A_9 = tpu.memref_slice %arg3[%mul3A_2] : memref<2048xi32, #tpu.memory_space<hbm>> -> memref<64xi32, #tpu.memory_space<hbm>>
      %dma_wait3A_10 = tpu.memref_slice %arg3[%mul3A_2] : memref<2048xi32, #tpu.memory_space<hbm>> -> memref<64xi32, #tpu.memory_space<hbm>>
      tpu.wait_dma2 semaphore(%run_scoped3A : memref<!tpu.dma_semaphore, #tpu.memory_space<semaphore_mem>>) src(%dma_wait3A_10 : memref<64xi32, #tpu.memory_space<hbm>>) dst(%arg5 : memref<64xi32, #tpu.memory_space<vmem>>)
      tpu.yield
    }) : () -> ()
    %dma_start3A = arith.constant 0 : i32
    %dma_start3A_3 = arith.constant 0 : i32
    %dma_start3A_4 = tpu.memref_slice %arg2[%dma_start3A, %dma_start3A_3] : memref<2048x1024xf32, #tpu.memory_space<hbm>> -> memref<2048x1024xf32, #tpu.memory_space<hbm>>
    tpu.enqueue_indirect_dma source(%dma_start3A_4 : memref<2048x1024xf32, #tpu.memory_space<hbm>>) target(%arg6 : memref<64x1024xf32, #tpu.memory_space<vmem>>) offsets(%arg5 : memref<64xi32, #tpu.memory_space<vmem>>) semaphore(%arg7 : memref<!tpu.dma_semaphore, #tpu.memory_space<semaphore_mem>>)
    %dma_wait3A = arith.constant 0 : i32
    %dma_wait3A_5 = arith.constant 0 : i32
    %dma_wait3A_6 = tpu.memref_slice %arg2[%dma_wait3A, %dma_wait3A_5] : memref<2048x1024xf32, #tpu.memory_space<hbm>> -> memref<2048x1024xf32, #tpu.memory_space<hbm>>
    tpu.wait_indirect_dma semaphore(%arg7 : memref<!tpu.dma_semaphore, #tpu.memory_space<semaphore_mem>>) src(%dma_wait3A_6 : memref<2048x1024xf32, #tpu.memory_space<hbm>>) dst(%arg6 : memref<64x1024xf32, #tpu.memory_space<vmem>>)
    "tpu.region"() ({
      %run_scoped3A = tpu.sem_alloc : memref<!tpu.dma_semaphore, #tpu.memory_space<semaphore_mem>>
      %dma_start3A_7 = arith.constant 0 : i32
      %dma_start3A_8 = tpu.memref_slice %arg4[%mul3A_2, %dma_start3A_7] : memref<2048x1024xf32, #tpu.memory_space<hbm>> -> memref<64x1024xf32, #tpu.memory_space<hbm>>
      %dma_start3A_9 = arith.constant 0 : i32
      %dma_start3A_10 = tpu.memref_slice %arg4[%mul3A_2, %dma_start3A_9] : memref<2048x1024xf32, #tpu.memory_space<hbm>> -> memref<64x1024xf32, #tpu.memory_space<hbm>>
      tpu.enqueue_dma source(%arg6 : memref<64x1024xf32, #tpu.memory_space<vmem>>) target(%dma_start3A_10 : memref<64x1024xf32, #tpu.memory_space<hbm>>) target_semaphore(%run_scoped3A : memref<!tpu.dma_semaphore, #tpu.memory_space<semaphore_mem>>)
      %dma_wait3A_11 = arith.constant 0 : i32
      %dma_wait3A_12 = tpu.memref_slice %arg4[%mul3A_2, %dma_wait3A_11] : memref<2048x1024xf32, #tpu.memory_space<hbm>> -> memref<64x1024xf32, #tpu.memory_space<hbm>>
      %dma_wait3A_13 = arith.constant 0 : i32
      %dma_wait3A_14 = tpu.memref_slice %arg4[%mul3A_2, %dma_wait3A_13] : memref<2048x1024xf32, #tpu.memory_space<hbm>> -> memref<64x1024xf32, #tpu.memory_space<hbm>>
      tpu.wait_dma2 semaphore(%run_scoped3A : memref<!tpu.dma_semaphore, #tpu.memory_space<semaphore_mem>>) src(%arg6 : memref<64x1024xf32, #tpu.memory_space<vmem>>) dst(%dma_wait3A_14 : memref<64x1024xf32, #tpu.memory_space<hbm>>)
      tpu.yield
    }) : () -> ()
    return
  }
}

module attributes {stable_mosaic.version = 14 : i64} {
  func.func @_mm_body(%arg0: i32, %arg1: memref<11xi32, #tpu.memory_space<smem>>, %arg2: memref<11xi32, #tpu.memory_space<smem>>, %arg3: memref<11xi32, #tpu.memory_space<smem>>, %arg4: memref<11xi32, #tpu.memory_space<smem>>, %arg5: memref<11xi32, #tpu.memory_space<smem>>, %arg6: memref<512x1024xf32, #tpu.memory_space<vmem>>, %arg7: memref<1x1024x1024xf32, #tpu.memory_space<vmem>>, %arg8: memref<512x1024xf32, #tpu.memory_space<vmem>>) attributes {dimension_semantics = [#tpu.dimension_semantics<arbitrary>], iteration_bounds = array<i64: 11>, scalar_prefetch = 5 : i64, scratch_operands = 0 : i64, tpu.core_type = #tpu.core_type<tc>, window_params = [{transform_indices = @transform_0, window_bounds = array<i64: 512, 1024>}, {transform_indices = @transform_1, window_bounds = array<i64: 1, 1024, 1024>}, {transform_indices = @transform_2, window_bounds = array<i64: 512, 1024>}]} {
    %get3A = arith.index_cast %arg0 : i32 to index
    %get3A_0 = memref.load %arg1[%get3A] : memref<11xi32, #tpu.memory_space<smem>>
    %mul3A = arith.constant 512 : i32
    %mul3A_1 = arith.muli %get3A_0, %mul3A : i32
    %iota3A = tpu.iota {dimensions = array<i32: 0>} : vector<512x1xi32>
    %add3A = vector.broadcast %mul3A_1 : i32 to vector<512x1xi32>
    %add3A_2 = arith.addi %add3A, %iota3A : vector<512x1xi32>
    %get3A_3 = arith.index_cast %arg0 : i32 to index
    %get3A_4 = memref.load %arg3[%get3A_3] : memref<11xi32, #tpu.memory_space<smem>>
    %ge3A = vector.broadcast %get3A_4 : i32 to vector<512x1xi32>
    %ge3A_5 = arith.cmpi sge, %add3A_2, %ge3A : vector<512x1xi32>
    %get3A_6 = arith.index_cast %arg0 : i32 to index
    %get3A_7 = memref.load %arg4[%get3A_6] : memref<11xi32, #tpu.memory_space<smem>>
    %lt3A = vector.broadcast %get3A_7 : i32 to vector<512x1xi32>
    %lt3A_8 = arith.cmpi slt, %add3A_2, %lt3A : vector<512x1xi32>
    %and3A = arith.andi %ge3A_5, %lt3A_8 : vector<512x1xi1>
    %get3A_9 = arith.constant 0 : index
    %get3A_10 = arith.constant 0 : index
    %get3A_11 = vector.load %arg6[%get3A_9, %get3A_10] : memref<512x1024xf32, #tpu.memory_space<vmem>>, vector<512x1024xf32>
    %jit3A = arith.constant 0.000000e+00 : f32
    %broadcast_in_dim3A = vector.shape_cast %and3A : vector<512x1xi1> to vector<512x1xi1>
    %broadcast_in_dim3A_12 = vector.broadcast %broadcast_in_dim3A : vector<512x1xi1> to vector<512x1024xi1>
    %broadcast_in_dim3A_13 = vector.broadcast %jit3A : f32 to vector<512x1024xf32>
    %select_n3A = arith.select %broadcast_in_dim3A_12, %get3A_11, %broadcast_in_dim3A_13 : vector<512x1024xi1>, vector<512x1024xf32>
    %get3A_14 = arith.constant 0 : index
    %get3A_15 = arith.constant 0 : index
    %get3A_16 = arith.constant 0 : index
    %get3A_17 = vector.load %arg7[%get3A_14, %get3A_15, %get3A_16] : memref<1x1024x1024xf32, #tpu.memory_space<vmem>>, vector<1x1024x1024xf32>
    %get3A_18 = vector.shape_cast %get3A_17 : vector<1x1024x1024xf32> to vector<1024x1024xf32>
    %dot_general3A = arith.constant dense<0.000000e+00> : vector<512x1024xf32>
    %dot_general3A_19 = tpu.matmul %select_n3A, %get3A_18, %dot_general3A {dimension_numbers = #tpu.dot_dimension_numbers<[1], [1], [0], [0], [0, 0, 1, 0], [], []>, transpose_lhs_hint = false} : vector<512x1024xf32>, vector<1024x1024xf32>, vector<512x1024xf32> -> vector<512x1024xf32>
    %get3A_20 = arith.index_cast %arg0 : i32 to index
    %get3A_21 = memref.load %arg5[%get3A_20] : memref<11xi32, #tpu.memory_space<smem>>
    %eq3A = arith.constant 1 : i32
    %eq3A_22 = arith.cmpi eq, %get3A_21, %eq3A : i32
    %convert_element_type3A = arith.extui %eq3A_22 : i1 to i32
    %cond3A = arith.constant 0 : i32
    %cond3A_23 = arith.cmpi ne, %convert_element_type3A, %cond3A : i32
    scf.if %cond3A_23 {
      %swap3A = arith.constant 0 : index
      %swap3A_31 = arith.constant 0 : index
      %swap3A_32 = vector.load %arg8[%swap3A, %swap3A_31] : memref<512x1024xf32, #tpu.memory_space<vmem>>, vector<512x1024xf32>
      tpu.vector_store %arg8[%swap3A, %swap3A_31], %dot_general3A_19 {strides = array<i32>} : memref<512x1024xf32, #tpu.memory_space<vmem>>, vector<512x1024xf32>,
    } else {
    }
    %get3A_24 = arith.index_cast %arg0 : i32 to index
    %get3A_25 = memref.load %arg5[%get3A_24] : memref<11xi32, #tpu.memory_space<smem>>
    %eq3A_26 = arith.constant 0 : i32
    %eq3A_27 = arith.cmpi eq, %get3A_25, %eq3A_26 : i32
    %convert_element_type3A_28 = arith.extui %eq3A_27 : i1 to i32
    %cond3A_29 = arith.constant 0 : i32
    %cond3A_30 = arith.cmpi ne, %convert_element_type3A_28, %cond3A_29 : i32
    scf.if %cond3A_30 {
      %get3A_31 = arith.constant 0 : index
      %get3A_32 = arith.constant 0 : index
      %get3A_33 = vector.load %arg8[%get3A_31, %get3A_32] : memref<512x1024xf32, #tpu.memory_space<vmem>>, vector<512x1024xf32>
      %add3A_34 = arith.addf %get3A_33, %dot_general3A_19 : vector<512x1024xf32>
      %swap3A = arith.constant 0 : index
      %swap3A_35 = arith.constant 0 : index
      %swap3A_36 = vector.load %arg8[%swap3A, %swap3A_35] : memref<512x1024xf32, #tpu.memory_space<vmem>>, vector<512x1024xf32>
      tpu.vector_store %arg8[%swap3A, %swap3A_35], %add3A_34 {strides = array<i32>} : memref<512x1024xf32, #tpu.memory_space<vmem>>, vector<512x1024xf32>,
    } else {
    }
    return
  }
  func.func @transform_0(%arg0: i32, %arg1: memref<11xi32, #tpu.memory_space<smem>>, %arg2: memref<11xi32, #tpu.memory_space<smem>>, %arg3: memref<11xi32, #tpu.memory_space<smem>>, %arg4: memref<11xi32, #tpu.memory_space<smem>>, %arg5: memref<11xi32, #tpu.memory_space<smem>>) -> (i32, i32) {
    %get3A = arith.index_cast %arg0 : i32 to index
    %get3A_0 = memref.load %arg1[%get3A] : memref<11xi32, #tpu.memory_space<smem>>
    %c0_i32 = arith.constant 0 : i32
    %c0_i32_1 = arith.constant 0 : i32
    return %get3A_0, %c0_i32 : i32, i32
  }
  func.func @transform_1(%arg0: i32, %arg1: memref<11xi32, #tpu.memory_space<smem>>, %arg2: memref<11xi32, #tpu.memory_space<smem>>, %arg3: memref<11xi32, #tpu.memory_space<smem>>, %arg4: memref<11xi32, #tpu.memory_space<smem>>, %arg5: memref<11xi32, #tpu.memory_space<smem>>) -> (i32, i32, i32) {
    %get3A = arith.index_cast %arg0 : i32 to index
    %get3A_0 = memref.load %arg2[%get3A] : memref<11xi32, #tpu.memory_space<smem>>
    %c0_i32 = arith.constant 0 : i32
    %c0_i32_1 = arith.constant 0 : i32
    %c0_i32_2 = arith.constant 0 : i32
    return %get3A_0, %c0_i32, %c0_i32_1 : i32, i32, i32
  }
  func.func @transform_2(%arg0: i32, %arg1: memref<11xi32, #tpu.memory_space<smem>>, %arg2: memref<11xi32, #tpu.memory_space<smem>>, %arg3: memref<11xi32, #tpu.memory_space<smem>>, %arg4: memref<11xi32, #tpu.memory_space<smem>>, %arg5: memref<11xi32, #tpu.memory_space<smem>>) -> (i32, i32) {
    %get3A = arith.index_cast %arg0 : i32 to index
    %get3A_0 = memref.load %arg1[%get3A] : memref<11xi32, #tpu.memory_space<smem>>
    %c0_i32 = arith.constant 0 : i32
    %c0_i32_1 = arith.constant 0 : i32
    return %get3A_0, %c0_i32 : i32, i32
  }
}

module attributes {stable_mosaic.version = 14 : i64} {
  func.func @_meta_body(%arg0: memref<1x2048xi32, #tpu.memory_space<vmem>>, %arg1: memref<1x2048xi32, #tpu.memory_space<vmem>>, %arg2: memref<11xi32, #tpu.memory_space<smem>>, %arg3: memref<11xi32, #tpu.memory_space<smem>>, %arg4: memref<11xi32, #tpu.memory_space<smem>>, %arg5: memref<11xi32, #tpu.memory_space<smem>>, %arg6: memref<11xi32, #tpu.memory_space<smem>>) attributes {dimension_semantics = [], scalar_prefetch = 0 : i64, scratch_operands = 0 : i64, tpu.core_type = #tpu.core_type<tc>} {
    %get3A = arith.constant 0 : index
    %get3A_0 = arith.constant 0 : index
    %get3A_1 = vector.load %arg0[%get3A, %get3A_0] : memref<1x2048xi32, #tpu.memory_space<vmem>>, vector<1x2048xi32>
    %iota3A = tpu.iota {dimensions = array<i32: 0>} : vector<8x2048xi32>
    %broadcast_in_dim3A = vector.shape_cast %get3A_1 : vector<1x2048xi32> to vector<1x2048xi32>
    %broadcast_in_dim3A_2 = vector.broadcast %broadcast_in_dim3A : vector<1x2048xi32> to vector<8x2048xi32>
    %eq3A = arith.cmpi eq, %broadcast_in_dim3A_2, %iota3A : vector<8x2048xi32>
    %convert_element_type3A = arith.extui %eq3A : vector<8x2048xi1> to vector<8x2048xi32>
    %broadcast_in_dim3A_3 = arith.constant 0 : i32
    %broadcast_in_dim3A_4 = vector.broadcast %broadcast_in_dim3A_3 : i32 to vector<8x1xi32>
    %slice3A = vector.extract_strided_slice %convert_element_type3A {offsets = [0, 0], sizes = [8, 2047], strides = [1, 1]} : vector<8x2048xi32> to vector<8x2047xi32>
    %concatenate3A = tpu.concatenate %broadcast_in_dim3A_4, %slice3A in 1 : vector<8x1xi32>, vector<8x2047xi32> -> vector<8x2048xi32>
    %add3A = arith.addi %convert_element_type3A, %concatenate3A : vector<8x2048xi32>
    %broadcast_in_dim3A_5 = arith.constant 0 : i32
    %broadcast_in_dim3A_6 = vector.broadcast %broadcast_in_dim3A_5 : i32 to vector<8x2xi32>
    %slice3A_7 = vector.extract_strided_slice %add3A {offsets = [0, 0], sizes = [8, 2046], strides = [1, 1]} : vector<8x2048xi32> to vector<8x2046xi32>
    %concatenate3A_8 = tpu.concatenate %broadcast_in_dim3A_6, %slice3A_7 in 1 : vector<8x2xi32>, vector<8x2046xi32> -> vector<8x2048xi32>
    %add3A_9 = arith.addi %add3A, %concatenate3A_8 : vector<8x2048xi32>
    %broadcast_in_dim3A_10 = arith.constant 0 : i32
    %broadcast_in_dim3A_11 = vector.broadcast %broadcast_in_dim3A_10 : i32 to vector<8x4xi32>
    %slice3A_12 = vector.extract_strided_slice %add3A_9 {offsets = [0, 0], sizes = [8, 2044], strides = [1, 1]} : vector<8x2048xi32> to vector<8x2044xi32>
    %concatenate3A_13 = tpu.concatenate %broadcast_in_dim3A_11, %slice3A_12 in 1 : vector<8x4xi32>, vector<8x2044xi32> -> vector<8x2048xi32>
    %add3A_14 = arith.addi %add3A_9, %concatenate3A_13 : vector<8x2048xi32>
    %broadcast_in_dim3A_15 = arith.constant 0 : i32
    %broadcast_in_dim3A_16 = vector.broadcast %broadcast_in_dim3A_15 : i32 to vector<8x8xi32>
    %slice3A_17 = vector.extract_strided_slice %add3A_14 {offsets = [0, 0], sizes = [8, 2040], strides = [1, 1]} : vector<8x2048xi32> to vector<8x2040xi32>
    %concatenate3A_18 = tpu.concatenate %broadcast_in_dim3A_16, %slice3A_17 in 1 : vector<8x8xi32>, vector<8x2040xi32> -> vector<8x2048xi32>
    %add3A_19 = arith.addi %add3A_14, %concatenate3A_18 : vector<8x2048xi32>
    %broadcast_in_dim3A_20 = arith.constant 0 : i32
    %broadcast_in_dim3A_21 = vector.broadcast %broadcast_in_dim3A_20 : i32 to vector<8x16xi32>
    %slice3A_22 = vector.extract_strided_slice %add3A_19 {offsets = [0, 0], sizes = [8, 2032], strides = [1, 1]} : vector<8x2048xi32> to vector<8x2032xi32>
    %concatenate3A_23 = tpu.concatenate %broadcast_in_dim3A_21, %slice3A_22 in 1 : vector<8x16xi32>, vector<8x2032xi32> -> vector<8x2048xi32>
    %add3A_24 = arith.addi %add3A_19, %concatenate3A_23 : vector<8x2048xi32>
    %broadcast_in_dim3A_25 = arith.constant 0 : i32
    %broadcast_in_dim3A_26 = vector.broadcast %broadcast_in_dim3A_25 : i32 to vector<8x32xi32>
    %slice3A_27 = vector.extract_strided_slice %add3A_24 {offsets = [0, 0], sizes = [8, 2016], strides = [1, 1]} : vector<8x2048xi32> to vector<8x2016xi32>
    %concatenate3A_28 = tpu.concatenate %broadcast_in_dim3A_26, %slice3A_27 in 1 : vector<8x32xi32>, vector<8x2016xi32> -> vector<8x2048xi32>
    %add3A_29 = arith.addi %add3A_24, %concatenate3A_28 : vector<8x2048xi32>
    %broadcast_in_dim3A_30 = arith.constant 0 : i32
    %broadcast_in_dim3A_31 = vector.broadcast %broadcast_in_dim3A_30 : i32 to vector<8x64xi32>
    %slice3A_32 = vector.extract_strided_slice %add3A_29 {offsets = [0, 0], sizes = [8, 1984], strides = [1, 1]} : vector<8x2048xi32> to vector<8x1984xi32>
    %concatenate3A_33 = tpu.concatenate %broadcast_in_dim3A_31, %slice3A_32 in 1 : vector<8x64xi32>, vector<8x1984xi32> -> vector<8x2048xi32>
    %add3A_34 = arith.addi %add3A_29, %concatenate3A_33 : vector<8x2048xi32>
    %broadcast_in_dim3A_35 = arith.constant 0 : i32
    %broadcast_in_dim3A_36 = vector.broadcast %broadcast_in_dim3A_35 : i32 to vector<8x128xi32>
    %slice3A_37 = vector.extract_strided_slice %add3A_34 {offsets = [0, 0], sizes = [8, 1920], strides = [1, 1]} : vector<8x2048xi32> to vector<8x1920xi32>
    %concatenate3A_38 = tpu.concatenate %broadcast_in_dim3A_36, %slice3A_37 in 1 : vector<8x128xi32>, vector<8x1920xi32> -> vector<8x2048xi32>
    %add3A_39 = arith.addi %add3A_34, %concatenate3A_38 : vector<8x2048xi32>
    %broadcast_in_dim3A_40 = arith.constant 0 : i32
    %broadcast_in_dim3A_41 = vector.broadcast %broadcast_in_dim3A_40 : i32 to vector<8x256xi32>
    %slice3A_42 = vector.extract_strided_slice %add3A_39 {offsets = [0, 0], sizes = [8, 1792], strides = [1, 1]} : vector<8x2048xi32> to vector<8x1792xi32>
    %concatenate3A_43 = tpu.concatenate %broadcast_in_dim3A_41, %slice3A_42 in 1 : vector<8x256xi32>, vector<8x1792xi32> -> vector<8x2048xi32>
    %add3A_44 = arith.addi %add3A_39, %concatenate3A_43 : vector<8x2048xi32>
    %broadcast_in_dim3A_45 = arith.constant 0 : i32
    %broadcast_in_dim3A_46 = vector.broadcast %broadcast_in_dim3A_45 : i32 to vector<8x512xi32>
    %slice3A_47 = vector.extract_strided_slice %add3A_44 {offsets = [0, 0], sizes = [8, 1536], strides = [1, 1]} : vector<8x2048xi32> to vector<8x1536xi32>
    %concatenate3A_48 = tpu.concatenate %broadcast_in_dim3A_46, %slice3A_47 in 1 : vector<8x512xi32>, vector<8x1536xi32> -> vector<8x2048xi32>
    %add3A_49 = arith.addi %add3A_44, %concatenate3A_48 : vector<8x2048xi32>
    %broadcast_in_dim3A_50 = arith.constant 0 : i32
    %broadcast_in_dim3A_51 = vector.broadcast %broadcast_in_dim3A_50 : i32 to vector<8x1024xi32>
    %slice3A_52 = vector.extract_strided_slice %add3A_49 {offsets = [0, 0], sizes = [8, 1024], strides = [1, 1]} : vector<8x2048xi32> to vector<8x1024xi32>
    %concatenate3A_53 = tpu.concatenate %broadcast_in_dim3A_51, %slice3A_52 in 1 : vector<8x1024xi32>, vector<8x1024xi32> -> vector<8x2048xi32>
    %add3A_54 = arith.addi %add3A_49, %concatenate3A_53 : vector<8x2048xi32>
    %slice3A_55 = vector.extract_strided_slice %convert_element_type3A {offsets = [0, 0], sizes = [1, 2048], strides = [1, 1]} : vector<8x2048xi32> to vector<1x2048xi32>
    %reduce_sum3A = vector.shape_cast %slice3A_55 : vector<1x2048xi32> to vector<1x1x2048xi32>
    %reduce_sum3A_56 = arith.constant dense<0> : vector<1xi32>
    %reduce_sum3A_57 = vector.multi_reduction <add>, %reduce_sum3A, %reduce_sum3A_56 [1, 2] : vector<1x1x2048xi32> to vector<1xi32>
    %reduce_sum3A_58 = vector.shape_cast %reduce_sum3A_57 : vector<1xi32> to vector<1x1x1xi32>
    %reduce_sum3A_59 = vector.extract %reduce_sum3A_58[0, 0, 0] : i32 from vector<1x1x1xi32>
    %slice3A_60 = vector.extract_strided_slice %convert_element_type3A {offsets = [1, 0], sizes = [1, 2048], strides = [1, 1]} : vector<8x2048xi32> to vector<1x2048xi32>
    %reduce_sum3A_61 = vector.shape_cast %slice3A_60 : vector<1x2048xi32> to vector<1x1x2048xi32>
    %reduce_sum3A_62 = arith.constant dense<0> : vector<1xi32>
    %reduce_sum3A_63 = vector.multi_reduction <add>, %reduce_sum3A_61, %reduce_sum3A_62 [1, 2] : vector<1x1x2048xi32> to vector<1xi32>
    %reduce_sum3A_64 = vector.shape_cast %reduce_sum3A_63 : vector<1xi32> to vector<1x1x1xi32>
    %reduce_sum3A_65 = vector.extract %reduce_sum3A_64[0, 0, 0] : i32 from vector<1x1x1xi32>
    %slice3A_66 = vector.extract_strided_slice %convert_element_type3A {offsets = [2, 0], sizes = [1, 2048], strides = [1, 1]} : vector<8x2048xi32> to vector<1x2048xi32>
    %reduce_sum3A_67 = vector.shape_cast %slice3A_66 : vector<1x2048xi32> to vector<1x1x2048xi32>
    %reduce_sum3A_68 = arith.constant dense<0> : vector<1xi32>
    %reduce_sum3A_69 = vector.multi_reduction <add>, %reduce_sum3A_67, %reduce_sum3A_68 [1, 2] : vector<1x1x2048xi32> to vector<1xi32>
    %reduce_sum3A_70 = vector.shape_cast %reduce_sum3A_69 : vector<1xi32> to vector<1x1x1xi32>
    %reduce_sum3A_71 = vector.extract %reduce_sum3A_70[0, 0, 0] : i32 from vector<1x1x1xi32>
    %slice3A_72 = vector.extract_strided_slice %convert_element_type3A {offsets = [3, 0], sizes = [1, 2048], strides = [1, 1]} : vector<8x2048xi32> to vector<1x2048xi32>
    %reduce_sum3A_73 = vector.shape_cast %slice3A_72 : vector<1x2048xi32> to vector<1x1x2048xi32>
    %reduce_sum3A_74 = arith.constant dense<0> : vector<1xi32>
    %reduce_sum3A_75 = vector.multi_reduction <add>, %reduce_sum3A_73, %reduce_sum3A_74 [1, 2] : vector<1x1x2048xi32> to vector<1xi32>
    %reduce_sum3A_76 = vector.shape_cast %reduce_sum3A_75 : vector<1xi32> to vector<1x1x1xi32>
    %reduce_sum3A_77 = vector.extract %reduce_sum3A_76[0, 0, 0] : i32 from vector<1x1x1xi32>
    %slice3A_78 = vector.extract_strided_slice %convert_element_type3A {offsets = [4, 0], sizes = [1, 2048], strides = [1, 1]} : vector<8x2048xi32> to vector<1x2048xi32>
    %reduce_sum3A_79 = vector.shape_cast %slice3A_78 : vector<1x2048xi32> to vector<1x1x2048xi32>
    %reduce_sum3A_80 = arith.constant dense<0> : vector<1xi32>
    %reduce_sum3A_81 = vector.multi_reduction <add>, %reduce_sum3A_79, %reduce_sum3A_80 [1, 2] : vector<1x1x2048xi32> to vector<1xi32>
    %reduce_sum3A_82 = vector.shape_cast %reduce_sum3A_81 : vector<1xi32> to vector<1x1x1xi32>
    %reduce_sum3A_83 = vector.extract %reduce_sum3A_82[0, 0, 0] : i32 from vector<1x1x1xi32>
    %slice3A_84 = vector.extract_strided_slice %convert_element_type3A {offsets = [5, 0], sizes = [1, 2048], strides = [1, 1]} : vector<8x2048xi32> to vector<1x2048xi32>
    %reduce_sum3A_85 = vector.shape_cast %slice3A_84 : vector<1x2048xi32> to vector<1x1x2048xi32>
    %reduce_sum3A_86 = arith.constant dense<0> : vector<1xi32>
    %reduce_sum3A_87 = vector.multi_reduction <add>, %reduce_sum3A_85, %reduce_sum3A_86 [1, 2] : vector<1x1x2048xi32> to vector<1xi32>
    %reduce_sum3A_88 = vector.shape_cast %reduce_sum3A_87 : vector<1xi32> to vector<1x1x1xi32>
    %reduce_sum3A_89 = vector.extract %reduce_sum3A_88[0, 0, 0] : i32 from vector<1x1x1xi32>
    %slice3A_90 = vector.extract_strided_slice %convert_element_type3A {offsets = [6, 0], sizes = [1, 2048], strides = [1, 1]} : vector<8x2048xi32> to vector<1x2048xi32>
    %reduce_sum3A_91 = vector.shape_cast %slice3A_90 : vector<1x2048xi32> to vector<1x1x2048xi32>
    %reduce_sum3A_92 = arith.constant dense<0> : vector<1xi32>
    %reduce_sum3A_93 = vector.multi_reduction <add>, %reduce_sum3A_91, %reduce_sum3A_92 [1, 2] : vector<1x1x2048xi32> to vector<1xi32>
    %reduce_sum3A_94 = vector.shape_cast %reduce_sum3A_93 : vector<1xi32> to vector<1x1x1xi32>
    %reduce_sum3A_95 = vector.extract %reduce_sum3A_94[0, 0, 0] : i32 from vector<1x1x1xi32>
    %slice3A_96 = vector.extract_strided_slice %convert_element_type3A {offsets = [7, 0], sizes = [1, 2048], strides = [1, 1]} : vector<8x2048xi32> to vector<1x2048xi32>
    %reduce_sum3A_97 = vector.shape_cast %slice3A_96 : vector<1x2048xi32> to vector<1x1x2048xi32>
    %reduce_sum3A_98 = arith.constant dense<0> : vector<1xi32>
    %reduce_sum3A_99 = vector.multi_reduction <add>, %reduce_sum3A_97, %reduce_sum3A_98 [1, 2] : vector<1x1x2048xi32> to vector<1xi32>
    %reduce_sum3A_100 = vector.shape_cast %reduce_sum3A_99 : vector<1xi32> to vector<1x1x1xi32>
    %reduce_sum3A_101 = vector.extract %reduce_sum3A_100[0, 0, 0] : i32 from vector<1x1x1xi32>
    %add3A_102 = arith.constant 0 : i32
    %add3A_103 = arith.addi %add3A_102, %reduce_sum3A_59 : i32
    %add3A_104 = arith.addi %add3A_103, %reduce_sum3A_65 : i32
    %add3A_105 = arith.addi %add3A_104, %reduce_sum3A_71 : i32
    %add3A_106 = arith.addi %add3A_105, %reduce_sum3A_77 : i32
    %add3A_107 = arith.addi %add3A_106, %reduce_sum3A_83 : i32
    %add3A_108 = arith.addi %add3A_107, %reduce_sum3A_89 : i32
    %add3A_109 = arith.addi %add3A_108, %reduce_sum3A_95 : i32
    %broadcast_in_dim3A_110 = arith.constant 0 : i32
    %broadcast_in_dim3A_111 = vector.broadcast %broadcast_in_dim3A_110 : i32 to vector<1x2048xi32>
    %slice3A_112 = vector.extract_strided_slice %convert_element_type3A {offsets = [0, 0], sizes = [1, 2048], strides = [1, 1]} : vector<8x2048xi32> to vector<1x2048xi32>
    %eq3A_113 = arith.constant 1 : i32
    %eq3A_114 = vector.broadcast %eq3A_113 : i32 to vector<1x2048xi32>
    %eq3A_115 = arith.cmpi eq, %slice3A_112, %eq3A_114 : vector<1x2048xi32>
    %slice3A_116 = vector.extract_strided_slice %add3A_54 {offsets = [0, 0], sizes = [1, 2048], strides = [1, 1]} : vector<8x2048xi32> to vector<1x2048xi32>
    %add3A_117 = arith.constant 0 : i32
    %add3A_118 = vector.broadcast %add3A_117 : i32 to vector<1x2048xi32>
    %add3A_119 = arith.addi %add3A_118, %slice3A_116 : vector<1x2048xi32>
    %sub3A = arith.constant 1 : i32
    %sub3A_120 = vector.broadcast %sub3A : i32 to vector<1x2048xi32>
    %sub3A_121 = arith.subi %add3A_119, %sub3A_120 : vector<1x2048xi32>
    %jit3A = arith.constant 0 : i32
    %broadcast_in_dim3A_122 = vector.broadcast %jit3A : i32 to vector<1x2048xi32>
    %select_n3A = arith.select %eq3A_115, %sub3A_121, %broadcast_in_dim3A_122 : vector<1x2048xi1>, vector<1x2048xi32>
    %add3A_123 = arith.addi %broadcast_in_dim3A_111, %select_n3A : vector<1x2048xi32>
    %slice3A_124 = vector.extract_strided_slice %convert_element_type3A {offsets = [1, 0], sizes = [1, 2048], strides = [1, 1]} : vector<8x2048xi32> to vector<1x2048xi32>
    %eq3A_125 = arith.constant 1 : i32
    %eq3A_126 = vector.broadcast %eq3A_125 : i32 to vector<1x2048xi32>
    %eq3A_127 = arith.cmpi eq, %slice3A_124, %eq3A_126 : vector<1x2048xi32>
    %slice3A_128 = vector.extract_strided_slice %add3A_54 {offsets = [1, 0], sizes = [1, 2048], strides = [1, 1]} : vector<8x2048xi32> to vector<1x2048xi32>
    %add3A_129 = vector.broadcast %add3A_103 : i32 to vector<1x2048xi32>
    %add3A_130 = arith.addi %add3A_129, %slice3A_128 : vector<1x2048xi32>
    %sub3A_131 = arith.constant 1 : i32
    %sub3A_132 = vector.broadcast %sub3A_131 : i32 to vector<1x2048xi32>
    %sub3A_133 = arith.subi %add3A_130, %sub3A_132 : vector<1x2048xi32>
    %jit3A_134 = arith.constant 0 : i32
    %broadcast_in_dim3A_135 = vector.broadcast %jit3A_134 : i32 to vector<1x2048xi32>
    %select_n3A_136 = arith.select %eq3A_127, %sub3A_133, %broadcast_in_dim3A_135 : vector<1x2048xi1>, vector<1x2048xi32>
    %add3A_137 = arith.addi %add3A_123, %select_n3A_136 : vector<1x2048xi32>
    %slice3A_138 = vector.extract_strided_slice %convert_element_type3A {offsets = [2, 0], sizes = [1, 2048], strides = [1, 1]} : vector<8x2048xi32> to vector<1x2048xi32>
    %eq3A_139 = arith.constant 1 : i32
    %eq3A_140 = vector.broadcast %eq3A_139 : i32 to vector<1x2048xi32>
    %eq3A_141 = arith.cmpi eq, %slice3A_138, %eq3A_140 : vector<1x2048xi32>
    %slice3A_142 = vector.extract_strided_slice %add3A_54 {offsets = [2, 0], sizes = [1, 2048], strides = [1, 1]} : vector<8x2048xi32> to vector<1x2048xi32>
    %add3A_143 = vector.broadcast %add3A_104 : i32 to vector<1x2048xi32>
    %add3A_144 = arith.addi %add3A_143, %slice3A_142 : vector<1x2048xi32>
    %sub3A_145 = arith.constant 1 : i32
    %sub3A_146 = vector.broadcast %sub3A_145 : i32 to vector<1x2048xi32>
    %sub3A_147 = arith.subi %add3A_144, %sub3A_146 : vector<1x2048xi32>
    %jit3A_148 = arith.constant 0 : i32
    %broadcast_in_dim3A_149 = vector.broadcast %jit3A_148 : i32 to vector<1x2048xi32>
    %select_n3A_150 = arith.select %eq3A_141, %sub3A_147, %broadcast_in_dim3A_149 : vector<1x2048xi1>, vector<1x2048xi32>
    %add3A_151 = arith.addi %add3A_137, %select_n3A_150 : vector<1x2048xi32>
    %slice3A_152 = vector.extract_strided_slice %convert_element_type3A {offsets = [3, 0], sizes = [1, 2048], strides = [1, 1]} : vector<8x2048xi32> to vector<1x2048xi32>
    %eq3A_153 = arith.constant 1 : i32
    %eq3A_154 = vector.broadcast %eq3A_153 : i32 to vector<1x2048xi32>
    %eq3A_155 = arith.cmpi eq, %slice3A_152, %eq3A_154 : vector<1x2048xi32>
    %slice3A_156 = vector.extract_strided_slice %add3A_54 {offsets = [3, 0], sizes = [1, 2048], strides = [1, 1]} : vector<8x2048xi32> to vector<1x2048xi32>
    %add3A_157 = vector.broadcast %add3A_105 : i32 to vector<1x2048xi32>
    %add3A_158 = arith.addi %add3A_157, %slice3A_156 : vector<1x2048xi32>
    %sub3A_159 = arith.constant 1 : i32
    %sub3A_160 = vector.broadcast %sub3A_159 : i32 to vector<1x2048xi32>
    %sub3A_161 = arith.subi %add3A_158, %sub3A_160 : vector<1x2048xi32>
    %jit3A_162 = arith.constant 0 : i32
    %broadcast_in_dim3A_163 = vector.broadcast %jit3A_162 : i32 to vector<1x2048xi32>
    %select_n3A_164 = arith.select %eq3A_155, %sub3A_161, %broadcast_in_dim3A_163 : vector<1x2048xi1>, vector<1x2048xi32>
    %add3A_165 = arith.addi %add3A_151, %select_n3A_164 : vector<1x2048xi32>
    %slice3A_166 = vector.extract_strided_slice %convert_element_type3A {offsets = [4, 0], sizes = [1, 2048], strides = [1, 1]} : vector<8x2048xi32> to vector<1x2048xi32>
    %eq3A_167 = arith.constant 1 : i32
    %eq3A_168 = vector.broadcast %eq3A_167 : i32 to vector<1x2048xi32>
    %eq3A_169 = arith.cmpi eq, %slice3A_166, %eq3A_168 : vector<1x2048xi32>
    %slice3A_170 = vector.extract_strided_slice %add3A_54 {offsets = [4, 0], sizes = [1, 2048], strides = [1, 1]} : vector<8x2048xi32> to vector<1x2048xi32>
    %add3A_171 = vector.broadcast %add3A_106 : i32 to vector<1x2048xi32>
    %add3A_172 = arith.addi %add3A_171, %slice3A_170 : vector<1x2048xi32>
    %sub3A_173 = arith.constant 1 : i32
    %sub3A_174 = vector.broadcast %sub3A_173 : i32 to vector<1x2048xi32>
    %sub3A_175 = arith.subi %add3A_172, %sub3A_174 : vector<1x2048xi32>
    %jit3A_176 = arith.constant 0 : i32
    %broadcast_in_dim3A_177 = vector.broadcast %jit3A_176 : i32 to vector<1x2048xi32>
    %select_n3A_178 = arith.select %eq3A_169, %sub3A_175, %broadcast_in_dim3A_177 : vector<1x2048xi1>, vector<1x2048xi32>
    %add3A_179 = arith.addi %add3A_165, %select_n3A_178 : vector<1x2048xi32>
    %slice3A_180 = vector.extract_strided_slice %convert_element_type3A {offsets = [5, 0], sizes = [1, 2048], strides = [1, 1]} : vector<8x2048xi32> to vector<1x2048xi32>
    %eq3A_181 = arith.constant 1 : i32
    %eq3A_182 = vector.broadcast %eq3A_181 : i32 to vector<1x2048xi32>
    %eq3A_183 = arith.cmpi eq, %slice3A_180, %eq3A_182 : vector<1x2048xi32>
    %slice3A_184 = vector.extract_strided_slice %add3A_54 {offsets = [5, 0], sizes = [1, 2048], strides = [1, 1]} : vector<8x2048xi32> to vector<1x2048xi32>
    %add3A_185 = vector.broadcast %add3A_107 : i32 to vector<1x2048xi32>
    %add3A_186 = arith.addi %add3A_185, %slice3A_184 : vector<1x2048xi32>
    %sub3A_187 = arith.constant 1 : i32
    %sub3A_188 = vector.broadcast %sub3A_187 : i32 to vector<1x2048xi32>
    %sub3A_189 = arith.subi %add3A_186, %sub3A_188 : vector<1x2048xi32>
    %jit3A_190 = arith.constant 0 : i32
    %broadcast_in_dim3A_191 = vector.broadcast %jit3A_190 : i32 to vector<1x2048xi32>
    %select_n3A_192 = arith.select %eq3A_183, %sub3A_189, %broadcast_in_dim3A_191 : vector<1x2048xi1>, vector<1x2048xi32>
    %add3A_193 = arith.addi %add3A_179, %select_n3A_192 : vector<1x2048xi32>
    %slice3A_194 = vector.extract_strided_slice %convert_element_type3A {offsets = [6, 0], sizes = [1, 2048], strides = [1, 1]} : vector<8x2048xi32> to vector<1x2048xi32>
    %eq3A_195 = arith.constant 1 : i32
    %eq3A_196 = vector.broadcast %eq3A_195 : i32 to vector<1x2048xi32>
    %eq3A_197 = arith.cmpi eq, %slice3A_194, %eq3A_196 : vector<1x2048xi32>
    %slice3A_198 = vector.extract_strided_slice %add3A_54 {offsets = [6, 0], sizes = [1, 2048], strides = [1, 1]} : vector<8x2048xi32> to vector<1x2048xi32>
    %add3A_199 = vector.broadcast %add3A_108 : i32 to vector<1x2048xi32>
    %add3A_200 = arith.addi %add3A_199, %slice3A_198 : vector<1x2048xi32>
    %sub3A_201 = arith.constant 1 : i32
    %sub3A_202 = vector.broadcast %sub3A_201 : i32 to vector<1x2048xi32>
    %sub3A_203 = arith.subi %add3A_200, %sub3A_202 : vector<1x2048xi32>
    %jit3A_204 = arith.constant 0 : i32
    %broadcast_in_dim3A_205 = vector.broadcast %jit3A_204 : i32 to vector<1x2048xi32>
    %select_n3A_206 = arith.select %eq3A_197, %sub3A_203, %broadcast_in_dim3A_205 : vector<1x2048xi1>, vector<1x2048xi32>
    %add3A_207 = arith.addi %add3A_193, %select_n3A_206 : vector<1x2048xi32>
    %slice3A_208 = vector.extract_strided_slice %convert_element_type3A {offsets = [7, 0], sizes = [1, 2048], strides = [1, 1]} : vector<8x2048xi32> to vector<1x2048xi32>
    %eq3A_209 = arith.constant 1 : i32
    %eq3A_210 = vector.broadcast %eq3A_209 : i32 to vector<1x2048xi32>
    %eq3A_211 = arith.cmpi eq, %slice3A_208, %eq3A_210 : vector<1x2048xi32>
    %slice3A_212 = vector.extract_strided_slice %add3A_54 {offsets = [7, 0], sizes = [1, 2048], strides = [1, 1]} : vector<8x2048xi32> to vector<1x2048xi32>
    %add3A_213 = vector.broadcast %add3A_109 : i32 to vector<1x2048xi32>
    %add3A_214 = arith.addi %add3A_213, %slice3A_212 : vector<1x2048xi32>
    %sub3A_215 = arith.constant 1 : i32
    %sub3A_216 = vector.broadcast %sub3A_215 : i32 to vector<1x2048xi32>
    %sub3A_217 = arith.subi %add3A_214, %sub3A_216 : vector<1x2048xi32>
    %jit3A_218 = arith.constant 0 : i32
    %broadcast_in_dim3A_219 = vector.broadcast %jit3A_218 : i32 to vector<1x2048xi32>
    %select_n3A_220 = arith.select %eq3A_211, %sub3A_217, %broadcast_in_dim3A_219 : vector<1x2048xi1>, vector<1x2048xi32>
    %add3A_221 = arith.addi %add3A_207, %select_n3A_220 : vector<1x2048xi32>
    %swap3A = arith.constant 0 : index
    %swap3A_222 = arith.constant 0 : index
    %swap3A_223 = vector.load %arg1[%swap3A, %swap3A_222] : memref<1x2048xi32, #tpu.memory_space<vmem>>, vector<1x2048xi32>
    tpu.vector_store %arg1[%swap3A, %swap3A_222], %add3A_221 {strides = array<i32>} : memref<1x2048xi32, #tpu.memory_space<vmem>>, vector<1x2048xi32>,
    %add3A_224 = arith.constant 0 : i32
    %add3A_225 = arith.addi %add3A_224, %reduce_sum3A_59 : i32
    %max3A = arith.constant 0 : i32
    %max3A_226 = arith.constant 0 : i32
    %max3A_227 = arith.maxsi %max3A, %max3A_226 : i32
    %min3A = arith.constant 512 : i32
    %min3A_228 = arith.minsi %min3A, %add3A_225 : i32
    %gt3A = arith.cmpi sgt, %min3A_228, %max3A_227 : i32
    %convert_element_type3A_229 = arith.extui %gt3A : i1 to i32
    %cond3A = arith.constant 0 : i32
    %cond3A_230 = arith.constant -1 : i32
    %cond3A_231 = arith.constant 0 : i32
    %cond3A_232 = arith.cmpi ne, %convert_element_type3A_229, %cond3A_231 : i32
    scf.if %cond3A_232 {
      %swap3A_745 = arith.constant 0 : i32
      %swap3A_746 = arith.index_cast %cond3A : i32 to index
      %swap3A_747 = memref.load %arg2[%swap3A_746] : memref<11xi32, #tpu.memory_space<smem>>
      memref.store %swap3A_745, %arg2[%swap3A_746] : memref<11xi32, #tpu.memory_space<smem>>
      %swap3A_748 = arith.constant 0 : i32
      %swap3A_749 = arith.index_cast %cond3A : i32 to index
      %swap3A_750 = memref.load %arg3[%swap3A_749] : memref<11xi32, #tpu.memory_space<smem>>
      memref.store %swap3A_748, %arg3[%swap3A_749] : memref<11xi32, #tpu.memory_space<smem>>
      %swap3A_751 = arith.index_cast %cond3A : i32 to index
      %swap3A_752 = memref.load %arg4[%swap3A_751] : memref<11xi32, #tpu.memory_space<smem>>
      memref.store %max3A_227, %arg4[%swap3A_751] : memref<11xi32, #tpu.memory_space<smem>>
      %swap3A_753 = arith.index_cast %cond3A : i32 to index
      %swap3A_754 = memref.load %arg5[%swap3A_753] : memref<11xi32, #tpu.memory_space<smem>>
      memref.store %min3A_228, %arg5[%swap3A_753] : memref<11xi32, #tpu.memory_space<smem>>
      %ne3A = arith.constant 0 : i32
      %ne3A_755 = arith.cmpi ne, %cond3A_230, %ne3A : i32
      %jit3A_756 = arith.constant 1 : i32
      %jit3A_757 = arith.constant 0 : i32
      %select_n3A_758 = arith.select %ne3A_755, %jit3A_756, %jit3A_757 : i32
      %swap3A_759 = arith.index_cast %cond3A : i32 to index
      %swap3A_760 = memref.load %arg6[%swap3A_759] : memref<11xi32, #tpu.memory_space<smem>>
      memref.store %select_n3A_758, %arg6[%swap3A_759] : memref<11xi32, #tpu.memory_space<smem>>
    } else {
    }
    %jit3A_233 = arith.constant 0 : i32
    %jit3A_234 = arith.constant -1 : i32
    %select_n3A_235 = arith.select %gt3A, %jit3A_233, %jit3A_234 : i32
    %jit3A_236 = arith.constant 0 : i32
    %jit3A_237 = arith.constant 0 : i32
    %select_n3A_238 = arith.select %gt3A, %jit3A_236, %jit3A_237 : i32
    %convert_element_type3A_239 = arith.extui %gt3A : i1 to i32
    %add3A_240 = arith.constant 0 : i32
    %add3A_241 = arith.addi %add3A_240, %convert_element_type3A_239 : i32
    %add3A_242 = arith.addi %add3A_103, %reduce_sum3A_65 : i32
    %max3A_243 = arith.constant 0 : i32
    %max3A_244 = arith.maxsi %max3A_243, %add3A_103 : i32
    %min3A_245 = arith.constant 512 : i32
    %min3A_246 = arith.minsi %min3A_245, %add3A_242 : i32
    %gt3A_247 = arith.cmpi sgt, %min3A_246, %max3A_244 : i32
    %convert_element_type3A_248 = arith.extui %gt3A_247 : i1 to i32
    %cond3A_249 = arith.constant 0 : i32
    %cond3A_250 = arith.cmpi ne, %convert_element_type3A_248, %cond3A_249 : i32
    scf.if %cond3A_250 {
      %swap3A_745 = arith.constant 0 : i32
      %swap3A_746 = arith.index_cast %add3A_241 : i32 to index
      %swap3A_747 = memref.load %arg2[%swap3A_746] : memref<11xi32, #tpu.memory_space<smem>>
      memref.store %swap3A_745, %arg2[%swap3A_746] : memref<11xi32, #tpu.memory_space<smem>>
      %swap3A_748 = arith.constant 1 : i32
      %swap3A_749 = arith.index_cast %add3A_241 : i32 to index
      %swap3A_750 = memref.load %arg3[%swap3A_749] : memref<11xi32, #tpu.memory_space<smem>>
      memref.store %swap3A_748, %arg3[%swap3A_749] : memref<11xi32, #tpu.memory_space<smem>>
      %swap3A_751 = arith.index_cast %add3A_241 : i32 to index
      %swap3A_752 = memref.load %arg4[%swap3A_751] : memref<11xi32, #tpu.memory_space<smem>>
      memref.store %max3A_244, %arg4[%swap3A_751] : memref<11xi32, #tpu.memory_space<smem>>
      %swap3A_753 = arith.index_cast %add3A_241 : i32 to index
      %swap3A_754 = memref.load %arg5[%swap3A_753] : memref<11xi32, #tpu.memory_space<smem>>
      memref.store %min3A_246, %arg5[%swap3A_753] : memref<11xi32, #tpu.memory_space<smem>>
      %ne3A = arith.constant 0 : i32
      %ne3A_755 = arith.cmpi ne, %select_n3A_235, %ne3A : i32
      %jit3A_756 = arith.constant 1 : i32
      %jit3A_757 = arith.constant 0 : i32
      %select_n3A_758 = arith.select %ne3A_755, %jit3A_756, %jit3A_757 : i32
      %swap3A_759 = arith.index_cast %add3A_241 : i32 to index
      %swap3A_760 = memref.load %arg6[%swap3A_759] : memref<11xi32, #tpu.memory_space<smem>>
      memref.store %select_n3A_758, %arg6[%swap3A_759] : memref<11xi32, #tpu.memory_space<smem>>
    } else {
    }
    %jit3A_251 = arith.constant 0 : i32
    %select_n3A_252 = arith.select %gt3A_247, %jit3A_251, %select_n3A_235 : i32
    %jit3A_253 = arith.constant 1 : i32
    %select_n3A_254 = arith.select %gt3A_247, %jit3A_253, %select_n3A_238 : i32
    %convert_element_type3A_255 = arith.extui %gt3A_247 : i1 to i32
    %add3A_256 = arith.addi %add3A_241, %convert_element_type3A_255 : i32
    %add3A_257 = arith.addi %add3A_104, %reduce_sum3A_71 : i32
    %max3A_258 = arith.constant 0 : i32
    %max3A_259 = arith.maxsi %max3A_258, %add3A_104 : i32
    %min3A_260 = arith.constant 512 : i32
    %min3A_261 = arith.minsi %min3A_260, %add3A_257 : i32
    %gt3A_262 = arith.cmpi sgt, %min3A_261, %max3A_259 : i32
    %convert_element_type3A_263 = arith.extui %gt3A_262 : i1 to i32
    %cond3A_264 = arith.constant 0 : i32
    %cond3A_265 = arith.cmpi ne, %convert_element_type3A_263, %cond3A_264 : i32
    scf.if %cond3A_265 {
      %swap3A_745 = arith.constant 0 : i32
      %swap3A_746 = arith.index_cast %add3A_256 : i32 to index
      %swap3A_747 = memref.load %arg2[%swap3A_746] : memref<11xi32, #tpu.memory_space<smem>>
      memref.store %swap3A_745, %arg2[%swap3A_746] : memref<11xi32, #tpu.memory_space<smem>>
      %swap3A_748 = arith.constant 2 : i32
      %swap3A_749 = arith.index_cast %add3A_256 : i32 to index
      %swap3A_750 = memref.load %arg3[%swap3A_749] : memref<11xi32, #tpu.memory_space<smem>>
      memref.store %swap3A_748, %arg3[%swap3A_749] : memref<11xi32, #tpu.memory_space<smem>>
      %swap3A_751 = arith.index_cast %add3A_256 : i32 to index
      %swap3A_752 = memref.load %arg4[%swap3A_751] : memref<11xi32, #tpu.memory_space<smem>>
      memref.store %max3A_259, %arg4[%swap3A_751] : memref<11xi32, #tpu.memory_space<smem>>
      %swap3A_753 = arith.index_cast %add3A_256 : i32 to index
      %swap3A_754 = memref.load %arg5[%swap3A_753] : memref<11xi32, #tpu.memory_space<smem>>
      memref.store %min3A_261, %arg5[%swap3A_753] : memref<11xi32, #tpu.memory_space<smem>>
      %ne3A = arith.constant 0 : i32
      %ne3A_755 = arith.cmpi ne, %select_n3A_252, %ne3A : i32
      %jit3A_756 = arith.constant 1 : i32
      %jit3A_757 = arith.constant 0 : i32
      %select_n3A_758 = arith.select %ne3A_755, %jit3A_756, %jit3A_757 : i32
      %swap3A_759 = arith.index_cast %add3A_256 : i32 to index
      %swap3A_760 = memref.load %arg6[%swap3A_759] : memref<11xi32, #tpu.memory_space<smem>>
      memref.store %select_n3A_758, %arg6[%swap3A_759] : memref<11xi32, #tpu.memory_space<smem>>
    } else {
    }
    %jit3A_266 = arith.constant 0 : i32
    %select_n3A_267 = arith.select %gt3A_262, %jit3A_266, %select_n3A_252 : i32
    %jit3A_268 = arith.constant 2 : i32
    %select_n3A_269 = arith.select %gt3A_262, %jit3A_268, %select_n3A_254 : i32
    %convert_element_type3A_270 = arith.extui %gt3A_262 : i1 to i32
    %add3A_271 = arith.addi %add3A_256, %convert_element_type3A_270 : i32
    %add3A_272 = arith.addi %add3A_105, %reduce_sum3A_77 : i32
    %max3A_273 = arith.constant 0 : i32
    %max3A_274 = arith.maxsi %max3A_273, %add3A_105 : i32
    %min3A_275 = arith.constant 512 : i32
    %min3A_276 = arith.minsi %min3A_275, %add3A_272 : i32
    %gt3A_277 = arith.cmpi sgt, %min3A_276, %max3A_274 : i32
    %convert_element_type3A_278 = arith.extui %gt3A_277 : i1 to i32
    %cond3A_279 = arith.constant 0 : i32
    %cond3A_280 = arith.cmpi ne, %convert_element_type3A_278, %cond3A_279 : i32
    scf.if %cond3A_280 {
      %swap3A_745 = arith.constant 0 : i32
      %swap3A_746 = arith.index_cast %add3A_271 : i32 to index
      %swap3A_747 = memref.load %arg2[%swap3A_746] : memref<11xi32, #tpu.memory_space<smem>>
      memref.store %swap3A_745, %arg2[%swap3A_746] : memref<11xi32, #tpu.memory_space<smem>>
      %swap3A_748 = arith.constant 3 : i32
      %swap3A_749 = arith.index_cast %add3A_271 : i32 to index
      %swap3A_750 = memref.load %arg3[%swap3A_749] : memref<11xi32, #tpu.memory_space<smem>>
      memref.store %swap3A_748, %arg3[%swap3A_749] : memref<11xi32, #tpu.memory_space<smem>>
      %swap3A_751 = arith.index_cast %add3A_271 : i32 to index
      %swap3A_752 = memref.load %arg4[%swap3A_751] : memref<11xi32, #tpu.memory_space<smem>>
      memref.store %max3A_274, %arg4[%swap3A_751] : memref<11xi32, #tpu.memory_space<smem>>
      %swap3A_753 = arith.index_cast %add3A_271 : i32 to index
      %swap3A_754 = memref.load %arg5[%swap3A_753] : memref<11xi32, #tpu.memory_space<smem>>
      memref.store %min3A_276, %arg5[%swap3A_753] : memref<11xi32, #tpu.memory_space<smem>>
      %ne3A = arith.constant 0 : i32
      %ne3A_755 = arith.cmpi ne, %select_n3A_267, %ne3A : i32
      %jit3A_756 = arith.constant 1 : i32
      %jit3A_757 = arith.constant 0 : i32
      %select_n3A_758 = arith.select %ne3A_755, %jit3A_756, %jit3A_757 : i32
      %swap3A_759 = arith.index_cast %add3A_271 : i32 to index
      %swap3A_760 = memref.load %arg6[%swap3A_759] : memref<11xi32, #tpu.memory_space<smem>>
      memref.store %select_n3A_758, %arg6[%swap3A_759] : memref<11xi32, #tpu.memory_space<smem>>
    } else {
    }
    %jit3A_281 = arith.constant 0 : i32
    %select_n3A_282 = arith.select %gt3A_277, %jit3A_281, %select_n3A_267 : i32
    %jit3A_283 = arith.constant 3 : i32
    %select_n3A_284 = arith.select %gt3A_277, %jit3A_283, %select_n3A_269 : i32
    %convert_element_type3A_285 = arith.extui %gt3A_277 : i1 to i32
    %add3A_286 = arith.addi %add3A_271, %convert_element_type3A_285 : i32
    %add3A_287 = arith.addi %add3A_106, %reduce_sum3A_83 : i32
    %max3A_288 = arith.constant 0 : i32
    %max3A_289 = arith.maxsi %max3A_288, %add3A_106 : i32
    %min3A_290 = arith.constant 512 : i32
    %min3A_291 = arith.minsi %min3A_290, %add3A_287 : i32
    %gt3A_292 = arith.cmpi sgt, %min3A_291, %max3A_289 : i32
    %convert_element_type3A_293 = arith.extui %gt3A_292 : i1 to i32
    %cond3A_294 = arith.constant 0 : i32
    %cond3A_295 = arith.cmpi ne, %convert_element_type3A_293, %cond3A_294 : i32
    scf.if %cond3A_295 {
      %swap3A_745 = arith.constant 0 : i32
      %swap3A_746 = arith.index_cast %add3A_286 : i32 to index
      %swap3A_747 = memref.load %arg2[%swap3A_746] : memref<11xi32, #tpu.memory_space<smem>>
      memref.store %swap3A_745, %arg2[%swap3A_746] : memref<11xi32, #tpu.memory_space<smem>>
      %swap3A_748 = arith.constant 4 : i32
      %swap3A_749 = arith.index_cast %add3A_286 : i32 to index
      %swap3A_750 = memref.load %arg3[%swap3A_749] : memref<11xi32, #tpu.memory_space<smem>>
      memref.store %swap3A_748, %arg3[%swap3A_749] : memref<11xi32, #tpu.memory_space<smem>>
      %swap3A_751 = arith.index_cast %add3A_286 : i32 to index
      %swap3A_752 = memref.load %arg4[%swap3A_751] : memref<11xi32, #tpu.memory_space<smem>>
      memref.store %max3A_289, %arg4[%swap3A_751] : memref<11xi32, #tpu.memory_space<smem>>
      %swap3A_753 = arith.index_cast %add3A_286 : i32 to index
      %swap3A_754 = memref.load %arg5[%swap3A_753] : memref<11xi32, #tpu.memory_space<smem>>
      memref.store %min3A_291, %arg5[%swap3A_753] : memref<11xi32, #tpu.memory_space<smem>>
      %ne3A = arith.constant 0 : i32
      %ne3A_755 = arith.cmpi ne, %select_n3A_282, %ne3A : i32
      %jit3A_756 = arith.constant 1 : i32
      %jit3A_757 = arith.constant 0 : i32
      %select_n3A_758 = arith.select %ne3A_755, %jit3A_756, %jit3A_757 : i32
      %swap3A_759 = arith.index_cast %add3A_286 : i32 to index
      %swap3A_760 = memref.load %arg6[%swap3A_759] : memref<11xi32, #tpu.memory_space<smem>>
      memref.store %select_n3A_758, %arg6[%swap3A_759] : memref<11xi32, #tpu.memory_space<smem>>
    } else {
    }
    %jit3A_296 = arith.constant 0 : i32
    %select_n3A_297 = arith.select %gt3A_292, %jit3A_296, %select_n3A_282 : i32
    %jit3A_298 = arith.constant 4 : i32
    %select_n3A_299 = arith.select %gt3A_292, %jit3A_298, %select_n3A_284 : i32
    %convert_element_type3A_300 = arith.extui %gt3A_292 : i1 to i32
    %add3A_301 = arith.addi %add3A_286, %convert_element_type3A_300 : i32
    %add3A_302 = arith.addi %add3A_107, %reduce_sum3A_89 : i32
    %max3A_303 = arith.constant 0 : i32
    %max3A_304 = arith.maxsi %max3A_303, %add3A_107 : i32
    %min3A_305 = arith.constant 512 : i32
    %min3A_306 = arith.minsi %min3A_305, %add3A_302 : i32
    %gt3A_307 = arith.cmpi sgt, %min3A_306, %max3A_304 : i32
    %convert_element_type3A_308 = arith.extui %gt3A_307 : i1 to i32
    %cond3A_309 = arith.constant 0 : i32
    %cond3A_310 = arith.cmpi ne, %convert_element_type3A_308, %cond3A_309 : i32
    scf.if %cond3A_310 {
      %swap3A_745 = arith.constant 0 : i32
      %swap3A_746 = arith.index_cast %add3A_301 : i32 to index
      %swap3A_747 = memref.load %arg2[%swap3A_746] : memref<11xi32, #tpu.memory_space<smem>>
      memref.store %swap3A_745, %arg2[%swap3A_746] : memref<11xi32, #tpu.memory_space<smem>>
      %swap3A_748 = arith.constant 5 : i32
      %swap3A_749 = arith.index_cast %add3A_301 : i32 to index
      %swap3A_750 = memref.load %arg3[%swap3A_749] : memref<11xi32, #tpu.memory_space<smem>>
      memref.store %swap3A_748, %arg3[%swap3A_749] : memref<11xi32, #tpu.memory_space<smem>>
      %swap3A_751 = arith.index_cast %add3A_301 : i32 to index
      %swap3A_752 = memref.load %arg4[%swap3A_751] : memref<11xi32, #tpu.memory_space<smem>>
      memref.store %max3A_304, %arg4[%swap3A_751] : memref<11xi32, #tpu.memory_space<smem>>
      %swap3A_753 = arith.index_cast %add3A_301 : i32 to index
      %swap3A_754 = memref.load %arg5[%swap3A_753] : memref<11xi32, #tpu.memory_space<smem>>
      memref.store %min3A_306, %arg5[%swap3A_753] : memref<11xi32, #tpu.memory_space<smem>>
      %ne3A = arith.constant 0 : i32
      %ne3A_755 = arith.cmpi ne, %select_n3A_297, %ne3A : i32
      %jit3A_756 = arith.constant 1 : i32
      %jit3A_757 = arith.constant 0 : i32
      %select_n3A_758 = arith.select %ne3A_755, %jit3A_756, %jit3A_757 : i32
      %swap3A_759 = arith.index_cast %add3A_301 : i32 to index
      %swap3A_760 = memref.load %arg6[%swap3A_759] : memref<11xi32, #tpu.memory_space<smem>>
      memref.store %select_n3A_758, %arg6[%swap3A_759] : memref<11xi32, #tpu.memory_space<smem>>
    } else {
    }
    %jit3A_311 = arith.constant 0 : i32
    %select_n3A_312 = arith.select %gt3A_307, %jit3A_311, %select_n3A_297 : i32
    %jit3A_313 = arith.constant 5 : i32
    %select_n3A_314 = arith.select %gt3A_307, %jit3A_313, %select_n3A_299 : i32
    %convert_element_type3A_315 = arith.extui %gt3A_307 : i1 to i32
    %add3A_316 = arith.addi %add3A_301, %convert_element_type3A_315 : i32
    %add3A_317 = arith.addi %add3A_108, %reduce_sum3A_95 : i32
    %max3A_318 = arith.constant 0 : i32
    %max3A_319 = arith.maxsi %max3A_318, %add3A_108 : i32
    %min3A_320 = arith.constant 512 : i32
    %min3A_321 = arith.minsi %min3A_320, %add3A_317 : i32
    %gt3A_322 = arith.cmpi sgt, %min3A_321, %max3A_319 : i32
    %convert_element_type3A_323 = arith.extui %gt3A_322 : i1 to i32
    %cond3A_324 = arith.constant 0 : i32
    %cond3A_325 = arith.cmpi ne, %convert_element_type3A_323, %cond3A_324 : i32
    scf.if %cond3A_325 {
      %swap3A_745 = arith.constant 0 : i32
      %swap3A_746 = arith.index_cast %add3A_316 : i32 to index
      %swap3A_747 = memref.load %arg2[%swap3A_746] : memref<11xi32, #tpu.memory_space<smem>>
      memref.store %swap3A_745, %arg2[%swap3A_746] : memref<11xi32, #tpu.memory_space<smem>>
      %swap3A_748 = arith.constant 6 : i32
      %swap3A_749 = arith.index_cast %add3A_316 : i32 to index
      %swap3A_750 = memref.load %arg3[%swap3A_749] : memref<11xi32, #tpu.memory_space<smem>>
      memref.store %swap3A_748, %arg3[%swap3A_749] : memref<11xi32, #tpu.memory_space<smem>>
      %swap3A_751 = arith.index_cast %add3A_316 : i32 to index
      %swap3A_752 = memref.load %arg4[%swap3A_751] : memref<11xi32, #tpu.memory_space<smem>>
      memref.store %max3A_319, %arg4[%swap3A_751] : memref<11xi32, #tpu.memory_space<smem>>
      %swap3A_753 = arith.index_cast %add3A_316 : i32 to index
      %swap3A_754 = memref.load %arg5[%swap3A_753] : memref<11xi32, #tpu.memory_space<smem>>
      memref.store %min3A_321, %arg5[%swap3A_753] : memref<11xi32, #tpu.memory_space<smem>>
      %ne3A = arith.constant 0 : i32
      %ne3A_755 = arith.cmpi ne, %select_n3A_312, %ne3A : i32
      %jit3A_756 = arith.constant 1 : i32
      %jit3A_757 = arith.constant 0 : i32
      %select_n3A_758 = arith.select %ne3A_755, %jit3A_756, %jit3A_757 : i32
      %swap3A_759 = arith.index_cast %add3A_316 : i32 to index
      %swap3A_760 = memref.load %arg6[%swap3A_759] : memref<11xi32, #tpu.memory_space<smem>>
      memref.store %select_n3A_758, %arg6[%swap3A_759] : memref<11xi32, #tpu.memory_space<smem>>
    } else {
    }
    %jit3A_326 = arith.constant 0 : i32
    %select_n3A_327 = arith.select %gt3A_322, %jit3A_326, %select_n3A_312 : i32
    %jit3A_328 = arith.constant 6 : i32
    %select_n3A_329 = arith.select %gt3A_322, %jit3A_328, %select_n3A_314 : i32
    %convert_element_type3A_330 = arith.extui %gt3A_322 : i1 to i32
    %add3A_331 = arith.addi %add3A_316, %convert_element_type3A_330 : i32
    %add3A_332 = arith.addi %add3A_109, %reduce_sum3A_101 : i32
    %max3A_333 = arith.constant 0 : i32
    %max3A_334 = arith.maxsi %max3A_333, %add3A_109 : i32
    %min3A_335 = arith.constant 512 : i32
    %min3A_336 = arith.minsi %min3A_335, %add3A_332 : i32
    %gt3A_337 = arith.cmpi sgt, %min3A_336, %max3A_334 : i32
    %convert_element_type3A_338 = arith.extui %gt3A_337 : i1 to i32
    %cond3A_339 = arith.constant 0 : i32
    %cond3A_340 = arith.cmpi ne, %convert_element_type3A_338, %cond3A_339 : i32
    scf.if %cond3A_340 {
      %swap3A_745 = arith.constant 0 : i32
      %swap3A_746 = arith.index_cast %add3A_331 : i32 to index
      %swap3A_747 = memref.load %arg2[%swap3A_746] : memref<11xi32, #tpu.memory_space<smem>>
      memref.store %swap3A_745, %arg2[%swap3A_746] : memref<11xi32, #tpu.memory_space<smem>>
      %swap3A_748 = arith.constant 7 : i32
      %swap3A_749 = arith.index_cast %add3A_331 : i32 to index
      %swap3A_750 = memref.load %arg3[%swap3A_749] : memref<11xi32, #tpu.memory_space<smem>>
      memref.store %swap3A_748, %arg3[%swap3A_749] : memref<11xi32, #tpu.memory_space<smem>>
      %swap3A_751 = arith.index_cast %add3A_331 : i32 to index
      %swap3A_752 = memref.load %arg4[%swap3A_751] : memref<11xi32, #tpu.memory_space<smem>>
      memref.store %max3A_334, %arg4[%swap3A_751] : memref<11xi32, #tpu.memory_space<smem>>
      %swap3A_753 = arith.index_cast %add3A_331 : i32 to index
      %swap3A_754 = memref.load %arg5[%swap3A_753] : memref<11xi32, #tpu.memory_space<smem>>
      memref.store %min3A_336, %arg5[%swap3A_753] : memref<11xi32, #tpu.memory_space<smem>>
      %ne3A = arith.constant 0 : i32
      %ne3A_755 = arith.cmpi ne, %select_n3A_327, %ne3A : i32
      %jit3A_756 = arith.constant 1 : i32
      %jit3A_757 = arith.constant 0 : i32
      %select_n3A_758 = arith.select %ne3A_755, %jit3A_756, %jit3A_757 : i32
      %swap3A_759 = arith.index_cast %add3A_331 : i32 to index
      %swap3A_760 = memref.load %arg6[%swap3A_759] : memref<11xi32, #tpu.memory_space<smem>>
      memref.store %select_n3A_758, %arg6[%swap3A_759] : memref<11xi32, #tpu.memory_space<smem>>
    } else {
    }
    %jit3A_341 = arith.constant 0 : i32
    %select_n3A_342 = arith.select %gt3A_337, %jit3A_341, %select_n3A_327 : i32
    %jit3A_343 = arith.constant 7 : i32
    %select_n3A_344 = arith.select %gt3A_337, %jit3A_343, %select_n3A_329 : i32
    %convert_element_type3A_345 = arith.extui %gt3A_337 : i1 to i32
    %add3A_346 = arith.addi %add3A_331, %convert_element_type3A_345 : i32
    %add3A_347 = arith.constant 0 : i32
    %add3A_348 = arith.addi %add3A_347, %reduce_sum3A_59 : i32
    %max3A_349 = arith.constant 512 : i32
    %max3A_350 = arith.constant 0 : i32
    %max3A_351 = arith.maxsi %max3A_349, %max3A_350 : i32
    %min3A_352 = arith.constant 1024 : i32
    %min3A_353 = arith.minsi %min3A_352, %add3A_348 : i32
    %gt3A_354 = arith.cmpi sgt, %min3A_353, %max3A_351 : i32
    %convert_element_type3A_355 = arith.extui %gt3A_354 : i1 to i32
    %cond3A_356 = arith.constant 0 : i32
    %cond3A_357 = arith.cmpi ne, %convert_element_type3A_355, %cond3A_356 : i32
    scf.if %cond3A_357 {
      %swap3A_745 = arith.constant 1 : i32
      %swap3A_746 = arith.index_cast %add3A_346 : i32 to index
      %swap3A_747 = memref.load %arg2[%swap3A_746] : memref<11xi32, #tpu.memory_space<smem>>
      memref.store %swap3A_745, %arg2[%swap3A_746] : memref<11xi32, #tpu.memory_space<smem>>
      %swap3A_748 = arith.constant 0 : i32
      %swap3A_749 = arith.index_cast %add3A_346 : i32 to index
      %swap3A_750 = memref.load %arg3[%swap3A_749] : memref<11xi32, #tpu.memory_space<smem>>
      memref.store %swap3A_748, %arg3[%swap3A_749] : memref<11xi32, #tpu.memory_space<smem>>
      %swap3A_751 = arith.index_cast %add3A_346 : i32 to index
      %swap3A_752 = memref.load %arg4[%swap3A_751] : memref<11xi32, #tpu.memory_space<smem>>
      memref.store %max3A_351, %arg4[%swap3A_751] : memref<11xi32, #tpu.memory_space<smem>>
      %swap3A_753 = arith.index_cast %add3A_346 : i32 to index
      %swap3A_754 = memref.load %arg5[%swap3A_753] : memref<11xi32, #tpu.memory_space<smem>>
      memref.store %min3A_353, %arg5[%swap3A_753] : memref<11xi32, #tpu.memory_space<smem>>
      %ne3A = arith.constant 1 : i32
      %ne3A_755 = arith.cmpi ne, %select_n3A_342, %ne3A : i32
      %jit3A_756 = arith.constant 1 : i32
      %jit3A_757 = arith.constant 0 : i32
      %select_n3A_758 = arith.select %ne3A_755, %jit3A_756, %jit3A_757 : i32
      %swap3A_759 = arith.index_cast %add3A_346 : i32 to index
      %swap3A_760 = memref.load %arg6[%swap3A_759] : memref<11xi32, #tpu.memory_space<smem>>
      memref.store %select_n3A_758, %arg6[%swap3A_759] : memref<11xi32, #tpu.memory_space<smem>>
    } else {
    }
    %jit3A_358 = arith.constant 1 : i32
    %select_n3A_359 = arith.select %gt3A_354, %jit3A_358, %select_n3A_342 : i32
    %jit3A_360 = arith.constant 0 : i32
    %select_n3A_361 = arith.select %gt3A_354, %jit3A_360, %select_n3A_344 : i32
    %convert_element_type3A_362 = arith.extui %gt3A_354 : i1 to i32
    %add3A_363 = arith.addi %add3A_346, %convert_element_type3A_362 : i32
    %add3A_364 = arith.addi %add3A_103, %reduce_sum3A_65 : i32
    %max3A_365 = arith.constant 512 : i32
    %max3A_366 = arith.maxsi %max3A_365, %add3A_103 : i32
    %min3A_367 = arith.constant 1024 : i32
    %min3A_368 = arith.minsi %min3A_367, %add3A_364 : i32
    %gt3A_369 = arith.cmpi sgt, %min3A_368, %max3A_366 : i32
    %convert_element_type3A_370 = arith.extui %gt3A_369 : i1 to i32
    %cond3A_371 = arith.constant 0 : i32
    %cond3A_372 = arith.cmpi ne, %convert_element_type3A_370, %cond3A_371 : i32
    scf.if %cond3A_372 {
      %swap3A_745 = arith.constant 1 : i32
      %swap3A_746 = arith.index_cast %add3A_363 : i32 to index
      %swap3A_747 = memref.load %arg2[%swap3A_746] : memref<11xi32, #tpu.memory_space<smem>>
      memref.store %swap3A_745, %arg2[%swap3A_746] : memref<11xi32, #tpu.memory_space<smem>>
      %swap3A_748 = arith.constant 1 : i32
      %swap3A_749 = arith.index_cast %add3A_363 : i32 to index
      %swap3A_750 = memref.load %arg3[%swap3A_749] : memref<11xi32, #tpu.memory_space<smem>>
      memref.store %swap3A_748, %arg3[%swap3A_749] : memref<11xi32, #tpu.memory_space<smem>>
      %swap3A_751 = arith.index_cast %add3A_363 : i32 to index
      %swap3A_752 = memref.load %arg4[%swap3A_751] : memref<11xi32, #tpu.memory_space<smem>>
      memref.store %max3A_366, %arg4[%swap3A_751] : memref<11xi32, #tpu.memory_space<smem>>
      %swap3A_753 = arith.index_cast %add3A_363 : i32 to index
      %swap3A_754 = memref.load %arg5[%swap3A_753] : memref<11xi32, #tpu.memory_space<smem>>
      memref.store %min3A_368, %arg5[%swap3A_753] : memref<11xi32, #tpu.memory_space<smem>>
      %ne3A = arith.constant 1 : i32
      %ne3A_755 = arith.cmpi ne, %select_n3A_359, %ne3A : i32
      %jit3A_756 = arith.constant 1 : i32
      %jit3A_757 = arith.constant 0 : i32
      %select_n3A_758 = arith.select %ne3A_755, %jit3A_756, %jit3A_757 : i32
      %swap3A_759 = arith.index_cast %add3A_363 : i32 to index
      %swap3A_760 = memref.load %arg6[%swap3A_759] : memref<11xi32, #tpu.memory_space<smem>>
      memref.store %select_n3A_758, %arg6[%swap3A_759] : memref<11xi32, #tpu.memory_space<smem>>
    } else {
    }
    %jit3A_373 = arith.constant 1 : i32
    %select_n3A_374 = arith.select %gt3A_369, %jit3A_373, %select_n3A_359 : i32
    %jit3A_375 = arith.constant 1 : i32
    %select_n3A_376 = arith.select %gt3A_369, %jit3A_375, %select_n3A_361 : i32
    %convert_element_type3A_377 = arith.extui %gt3A_369 : i1 to i32
    %add3A_378 = arith.addi %add3A_363, %convert_element_type3A_377 : i32
    %add3A_379 = arith.addi %add3A_104, %reduce_sum3A_71 : i32
    %max3A_380 = arith.constant 512 : i32
    %max3A_381 = arith.maxsi %max3A_380, %add3A_104 : i32
    %min3A_382 = arith.constant 1024 : i32
    %min3A_383 = arith.minsi %min3A_382, %add3A_379 : i32
    %gt3A_384 = arith.cmpi sgt, %min3A_383, %max3A_381 : i32
    %convert_element_type3A_385 = arith.extui %gt3A_384 : i1 to i32
    %cond3A_386 = arith.constant 0 : i32
    %cond3A_387 = arith.cmpi ne, %convert_element_type3A_385, %cond3A_386 : i32
    scf.if %cond3A_387 {
      %swap3A_745 = arith.constant 1 : i32
      %swap3A_746 = arith.index_cast %add3A_378 : i32 to index
      %swap3A_747 = memref.load %arg2[%swap3A_746] : memref<11xi32, #tpu.memory_space<smem>>
      memref.store %swap3A_745, %arg2[%swap3A_746] : memref<11xi32, #tpu.memory_space<smem>>
      %swap3A_748 = arith.constant 2 : i32
      %swap3A_749 = arith.index_cast %add3A_378 : i32 to index
      %swap3A_750 = memref.load %arg3[%swap3A_749] : memref<11xi32, #tpu.memory_space<smem>>
      memref.store %swap3A_748, %arg3[%swap3A_749] : memref<11xi32, #tpu.memory_space<smem>>
      %swap3A_751 = arith.index_cast %add3A_378 : i32 to index
      %swap3A_752 = memref.load %arg4[%swap3A_751] : memref<11xi32, #tpu.memory_space<smem>>
      memref.store %max3A_381, %arg4[%swap3A_751] : memref<11xi32, #tpu.memory_space<smem>>
      %swap3A_753 = arith.index_cast %add3A_378 : i32 to index
      %swap3A_754 = memref.load %arg5[%swap3A_753] : memref<11xi32, #tpu.memory_space<smem>>
      memref.store %min3A_383, %arg5[%swap3A_753] : memref<11xi32, #tpu.memory_space<smem>>
      %ne3A = arith.constant 1 : i32
      %ne3A_755 = arith.cmpi ne, %select_n3A_374, %ne3A : i32
      %jit3A_756 = arith.constant 1 : i32
      %jit3A_757 = arith.constant 0 : i32
      %select_n3A_758 = arith.select %ne3A_755, %jit3A_756, %jit3A_757 : i32
      %swap3A_759 = arith.index_cast %add3A_378 : i32 to index
      %swap3A_760 = memref.load %arg6[%swap3A_759] : memref<11xi32, #tpu.memory_space<smem>>
      memref.store %select_n3A_758, %arg6[%swap3A_759] : memref<11xi32, #tpu.memory_space<smem>>
    } else {
    }
    %jit3A_388 = arith.constant 1 : i32
    %select_n3A_389 = arith.select %gt3A_384, %jit3A_388, %select_n3A_374 : i32
    %jit3A_390 = arith.constant 2 : i32
    %select_n3A_391 = arith.select %gt3A_384, %jit3A_390, %select_n3A_376 : i32
    %convert_element_type3A_392 = arith.extui %gt3A_384 : i1 to i32
    %add3A_393 = arith.addi %add3A_378, %convert_element_type3A_392 : i32
    %add3A_394 = arith.addi %add3A_105, %reduce_sum3A_77 : i32
    %max3A_395 = arith.constant 512 : i32
    %max3A_396 = arith.maxsi %max3A_395, %add3A_105 : i32
    %min3A_397 = arith.constant 1024 : i32
    %min3A_398 = arith.minsi %min3A_397, %add3A_394 : i32
    %gt3A_399 = arith.cmpi sgt, %min3A_398, %max3A_396 : i32
    %convert_element_type3A_400 = arith.extui %gt3A_399 : i1 to i32
    %cond3A_401 = arith.constant 0 : i32
    %cond3A_402 = arith.cmpi ne, %convert_element_type3A_400, %cond3A_401 : i32
    scf.if %cond3A_402 {
      %swap3A_745 = arith.constant 1 : i32
      %swap3A_746 = arith.index_cast %add3A_393 : i32 to index
      %swap3A_747 = memref.load %arg2[%swap3A_746] : memref<11xi32, #tpu.memory_space<smem>>
      memref.store %swap3A_745, %arg2[%swap3A_746] : memref<11xi32, #tpu.memory_space<smem>>
      %swap3A_748 = arith.constant 3 : i32
      %swap3A_749 = arith.index_cast %add3A_393 : i32 to index
      %swap3A_750 = memref.load %arg3[%swap3A_749] : memref<11xi32, #tpu.memory_space<smem>>
      memref.store %swap3A_748, %arg3[%swap3A_749] : memref<11xi32, #tpu.memory_space<smem>>
      %swap3A_751 = arith.index_cast %add3A_393 : i32 to index
      %swap3A_752 = memref.load %arg4[%swap3A_751] : memref<11xi32, #tpu.memory_space<smem>>
      memref.store %max3A_396, %arg4[%swap3A_751] : memref<11xi32, #tpu.memory_space<smem>>
      %swap3A_753 = arith.index_cast %add3A_393 : i32 to index
      %swap3A_754 = memref.load %arg5[%swap3A_753] : memref<11xi32, #tpu.memory_space<smem>>
      memref.store %min3A_398, %arg5[%swap3A_753] : memref<11xi32, #tpu.memory_space<smem>>
      %ne3A = arith.constant 1 : i32
      %ne3A_755 = arith.cmpi ne, %select_n3A_389, %ne3A : i32
      %jit3A_756 = arith.constant 1 : i32
      %jit3A_757 = arith.constant 0 : i32
      %select_n3A_758 = arith.select %ne3A_755, %jit3A_756, %jit3A_757 : i32
      %swap3A_759 = arith.index_cast %add3A_393 : i32 to index
      %swap3A_760 = memref.load %arg6[%swap3A_759] : memref<11xi32, #tpu.memory_space<smem>>
      memref.store %select_n3A_758, %arg6[%swap3A_759] : memref<11xi32, #tpu.memory_space<smem>>
    } else {
    }
    %jit3A_403 = arith.constant 1 : i32
    %select_n3A_404 = arith.select %gt3A_399, %jit3A_403, %select_n3A_389 : i32
    %jit3A_405 = arith.constant 3 : i32
    %select_n3A_406 = arith.select %gt3A_399, %jit3A_405, %select_n3A_391 : i32
    %convert_element_type3A_407 = arith.extui %gt3A_399 : i1 to i32
    %add3A_408 = arith.addi %add3A_393, %convert_element_type3A_407 : i32
    %add3A_409 = arith.addi %add3A_106, %reduce_sum3A_83 : i32
    %max3A_410 = arith.constant 512 : i32
    %max3A_411 = arith.maxsi %max3A_410, %add3A_106 : i32
    %min3A_412 = arith.constant 1024 : i32
    %min3A_413 = arith.minsi %min3A_412, %add3A_409 : i32
    %gt3A_414 = arith.cmpi sgt, %min3A_413, %max3A_411 : i32
    %convert_element_type3A_415 = arith.extui %gt3A_414 : i1 to i32
    %cond3A_416 = arith.constant 0 : i32
    %cond3A_417 = arith.cmpi ne, %convert_element_type3A_415, %cond3A_416 : i32
    scf.if %cond3A_417 {
      %swap3A_745 = arith.constant 1 : i32
      %swap3A_746 = arith.index_cast %add3A_408 : i32 to index
      %swap3A_747 = memref.load %arg2[%swap3A_746] : memref<11xi32, #tpu.memory_space<smem>>
      memref.store %swap3A_745, %arg2[%swap3A_746] : memref<11xi32, #tpu.memory_space<smem>>
      %swap3A_748 = arith.constant 4 : i32
      %swap3A_749 = arith.index_cast %add3A_408 : i32 to index
      %swap3A_750 = memref.load %arg3[%swap3A_749] : memref<11xi32, #tpu.memory_space<smem>>
      memref.store %swap3A_748, %arg3[%swap3A_749] : memref<11xi32, #tpu.memory_space<smem>>
      %swap3A_751 = arith.index_cast %add3A_408 : i32 to index
      %swap3A_752 = memref.load %arg4[%swap3A_751] : memref<11xi32, #tpu.memory_space<smem>>
      memref.store %max3A_411, %arg4[%swap3A_751] : memref<11xi32, #tpu.memory_space<smem>>
      %swap3A_753 = arith.index_cast %add3A_408 : i32 to index
      %swap3A_754 = memref.load %arg5[%swap3A_753] : memref<11xi32, #tpu.memory_space<smem>>
      memref.store %min3A_413, %arg5[%swap3A_753] : memref<11xi32, #tpu.memory_space<smem>>
      %ne3A = arith.constant 1 : i32
      %ne3A_755 = arith.cmpi ne, %select_n3A_404, %ne3A : i32
      %jit3A_756 = arith.constant 1 : i32
      %jit3A_757 = arith.constant 0 : i32
      %select_n3A_758 = arith.select %ne3A_755, %jit3A_756, %jit3A_757 : i32
      %swap3A_759 = arith.index_cast %add3A_408 : i32 to index
      %swap3A_760 = memref.load %arg6[%swap3A_759] : memref<11xi32, #tpu.memory_space<smem>>
      memref.store %select_n3A_758, %arg6[%swap3A_759] : memref<11xi32, #tpu.memory_space<smem>>
    } else {
    }
    %jit3A_418 = arith.constant 1 : i32
    %select_n3A_419 = arith.select %gt3A_414, %jit3A_418, %select_n3A_404 : i32
    %jit3A_420 = arith.constant 4 : i32
    %select_n3A_421 = arith.select %gt3A_414, %jit3A_420, %select_n3A_406 : i32
    %convert_element_type3A_422 = arith.extui %gt3A_414 : i1 to i32
    %add3A_423 = arith.addi %add3A_408, %convert_element_type3A_422 : i32
    %add3A_424 = arith.addi %add3A_107, %reduce_sum3A_89 : i32
    %max3A_425 = arith.constant 512 : i32
    %max3A_426 = arith.maxsi %max3A_425, %add3A_107 : i32
    %min3A_427 = arith.constant 1024 : i32
    %min3A_428 = arith.minsi %min3A_427, %add3A_424 : i32
    %gt3A_429 = arith.cmpi sgt, %min3A_428, %max3A_426 : i32
    %convert_element_type3A_430 = arith.extui %gt3A_429 : i1 to i32
    %cond3A_431 = arith.constant 0 : i32
    %cond3A_432 = arith.cmpi ne, %convert_element_type3A_430, %cond3A_431 : i32
    scf.if %cond3A_432 {
      %swap3A_745 = arith.constant 1 : i32
      %swap3A_746 = arith.index_cast %add3A_423 : i32 to index
      %swap3A_747 = memref.load %arg2[%swap3A_746] : memref<11xi32, #tpu.memory_space<smem>>
      memref.store %swap3A_745, %arg2[%swap3A_746] : memref<11xi32, #tpu.memory_space<smem>>
      %swap3A_748 = arith.constant 5 : i32
      %swap3A_749 = arith.index_cast %add3A_423 : i32 to index
      %swap3A_750 = memref.load %arg3[%swap3A_749] : memref<11xi32, #tpu.memory_space<smem>>
      memref.store %swap3A_748, %arg3[%swap3A_749] : memref<11xi32, #tpu.memory_space<smem>>
      %swap3A_751 = arith.index_cast %add3A_423 : i32 to index
      %swap3A_752 = memref.load %arg4[%swap3A_751] : memref<11xi32, #tpu.memory_space<smem>>
      memref.store %max3A_426, %arg4[%swap3A_751] : memref<11xi32, #tpu.memory_space<smem>>
      %swap3A_753 = arith.index_cast %add3A_423 : i32 to index
      %swap3A_754 = memref.load %arg5[%swap3A_753] : memref<11xi32, #tpu.memory_space<smem>>
      memref.store %min3A_428, %arg5[%swap3A_753] : memref<11xi32, #tpu.memory_space<smem>>
      %ne3A = arith.constant 1 : i32
      %ne3A_755 = arith.cmpi ne, %select_n3A_419, %ne3A : i32
      %jit3A_756 = arith.constant 1 : i32
      %jit3A_757 = arith.constant 0 : i32
      %select_n3A_758 = arith.select %ne3A_755, %jit3A_756, %jit3A_757 : i32
      %swap3A_759 = arith.index_cast %add3A_423 : i32 to index
      %swap3A_760 = memref.load %arg6[%swap3A_759] : memref<11xi32, #tpu.memory_space<smem>>
      memref.store %select_n3A_758, %arg6[%swap3A_759] : memref<11xi32, #tpu.memory_space<smem>>
    } else {
    }
    %jit3A_433 = arith.constant 1 : i32
    %select_n3A_434 = arith.select %gt3A_429, %jit3A_433, %select_n3A_419 : i32
    %jit3A_435 = arith.constant 5 : i32
    %select_n3A_436 = arith.select %gt3A_429, %jit3A_435, %select_n3A_421 : i32
    %convert_element_type3A_437 = arith.extui %gt3A_429 : i1 to i32
    %add3A_438 = arith.addi %add3A_423, %convert_element_type3A_437 : i32
    %add3A_439 = arith.addi %add3A_108, %reduce_sum3A_95 : i32
    %max3A_440 = arith.constant 512 : i32
    %max3A_441 = arith.maxsi %max3A_440, %add3A_108 : i32
    %min3A_442 = arith.constant 1024 : i32
    %min3A_443 = arith.minsi %min3A_442, %add3A_439 : i32
    %gt3A_444 = arith.cmpi sgt, %min3A_443, %max3A_441 : i32
    %convert_element_type3A_445 = arith.extui %gt3A_444 : i1 to i32
    %cond3A_446 = arith.constant 0 : i32
    %cond3A_447 = arith.cmpi ne, %convert_element_type3A_445, %cond3A_446 : i32
    scf.if %cond3A_447 {
      %swap3A_745 = arith.constant 1 : i32
      %swap3A_746 = arith.index_cast %add3A_438 : i32 to index
      %swap3A_747 = memref.load %arg2[%swap3A_746] : memref<11xi32, #tpu.memory_space<smem>>
      memref.store %swap3A_745, %arg2[%swap3A_746] : memref<11xi32, #tpu.memory_space<smem>>
      %swap3A_748 = arith.constant 6 : i32
      %swap3A_749 = arith.index_cast %add3A_438 : i32 to index
      %swap3A_750 = memref.load %arg3[%swap3A_749] : memref<11xi32, #tpu.memory_space<smem>>
      memref.store %swap3A_748, %arg3[%swap3A_749] : memref<11xi32, #tpu.memory_space<smem>>
      %swap3A_751 = arith.index_cast %add3A_438 : i32 to index
      %swap3A_752 = memref.load %arg4[%swap3A_751] : memref<11xi32, #tpu.memory_space<smem>>
      memref.store %max3A_441, %arg4[%swap3A_751] : memref<11xi32, #tpu.memory_space<smem>>
      %swap3A_753 = arith.index_cast %add3A_438 : i32 to index
      %swap3A_754 = memref.load %arg5[%swap3A_753] : memref<11xi32, #tpu.memory_space<smem>>
      memref.store %min3A_443, %arg5[%swap3A_753] : memref<11xi32, #tpu.memory_space<smem>>
      %ne3A = arith.constant 1 : i32
      %ne3A_755 = arith.cmpi ne, %select_n3A_434, %ne3A : i32
      %jit3A_756 = arith.constant 1 : i32
      %jit3A_757 = arith.constant 0 : i32
      %select_n3A_758 = arith.select %ne3A_755, %jit3A_756, %jit3A_757 : i32
      %swap3A_759 = arith.index_cast %add3A_438 : i32 to index
      %swap3A_760 = memref.load %arg6[%swap3A_759] : memref<11xi32, #tpu.memory_space<smem>>
      memref.store %select_n3A_758, %arg6[%swap3A_759] : memref<11xi32, #tpu.memory_space<smem>>
    } else {
    }
    %jit3A_448 = arith.constant 1 : i32
    %select_n3A_449 = arith.select %gt3A_444, %jit3A_448, %select_n3A_434 : i32
    %jit3A_450 = arith.constant 6 : i32
    %select_n3A_451 = arith.select %gt3A_444, %jit3A_450, %select_n3A_436 : i32
    %convert_element_type3A_452 = arith.extui %gt3A_444 : i1 to i32
    %add3A_453 = arith.addi %add3A_438, %convert_element_type3A_452 : i32
    %add3A_454 = arith.addi %add3A_109, %reduce_sum3A_101 : i32
    %max3A_455 = arith.constant 512 : i32
    %max3A_456 = arith.maxsi %max3A_455, %add3A_109 : i32
    %min3A_457 = arith.constant 1024 : i32
    %min3A_458 = arith.minsi %min3A_457, %add3A_454 : i32
    %gt3A_459 = arith.cmpi sgt, %min3A_458, %max3A_456 : i32
    %convert_element_type3A_460 = arith.extui %gt3A_459 : i1 to i32
    %cond3A_461 = arith.constant 0 : i32
    %cond3A_462 = arith.cmpi ne, %convert_element_type3A_460, %cond3A_461 : i32
    scf.if %cond3A_462 {
      %swap3A_745 = arith.constant 1 : i32
      %swap3A_746 = arith.index_cast %add3A_453 : i32 to index
      %swap3A_747 = memref.load %arg2[%swap3A_746] : memref<11xi32, #tpu.memory_space<smem>>
      memref.store %swap3A_745, %arg2[%swap3A_746] : memref<11xi32, #tpu.memory_space<smem>>
      %swap3A_748 = arith.constant 7 : i32
      %swap3A_749 = arith.index_cast %add3A_453 : i32 to index
      %swap3A_750 = memref.load %arg3[%swap3A_749] : memref<11xi32, #tpu.memory_space<smem>>
      memref.store %swap3A_748, %arg3[%swap3A_749] : memref<11xi32, #tpu.memory_space<smem>>
      %swap3A_751 = arith.index_cast %add3A_453 : i32 to index
      %swap3A_752 = memref.load %arg4[%swap3A_751] : memref<11xi32, #tpu.memory_space<smem>>
      memref.store %max3A_456, %arg4[%swap3A_751] : memref<11xi32, #tpu.memory_space<smem>>
      %swap3A_753 = arith.index_cast %add3A_453 : i32 to index
      %swap3A_754 = memref.load %arg5[%swap3A_753] : memref<11xi32, #tpu.memory_space<smem>>
      memref.store %min3A_458, %arg5[%swap3A_753] : memref<11xi32, #tpu.memory_space<smem>>
      %ne3A = arith.constant 1 : i32
      %ne3A_755 = arith.cmpi ne, %select_n3A_449, %ne3A : i32
      %jit3A_756 = arith.constant 1 : i32
      %jit3A_757 = arith.constant 0 : i32
      %select_n3A_758 = arith.select %ne3A_755, %jit3A_756, %jit3A_757 : i32
      %swap3A_759 = arith.index_cast %add3A_453 : i32 to index
      %swap3A_760 = memref.load %arg6[%swap3A_759] : memref<11xi32, #tpu.memory_space<smem>>
      memref.store %select_n3A_758, %arg6[%swap3A_759] : memref<11xi32, #tpu.memory_space<smem>>
    } else {
    }
    %jit3A_463 = arith.constant 1 : i32
    %select_n3A_464 = arith.select %gt3A_459, %jit3A_463, %select_n3A_449 : i32
    %jit3A_465 = arith.constant 7 : i32
    %select_n3A_466 = arith.select %gt3A_459, %jit3A_465, %select_n3A_451 : i32
    %convert_element_type3A_467 = arith.extui %gt3A_459 : i1 to i32
    %add3A_468 = arith.addi %add3A_453, %convert_element_type3A_467 : i32
    %add3A_469 = arith.constant 0 : i32
    %add3A_470 = arith.addi %add3A_469, %reduce_sum3A_59 : i32
    %max3A_471 = arith.constant 1024 : i32
    %max3A_472 = arith.constant 0 : i32
    %max3A_473 = arith.maxsi %max3A_471, %max3A_472 : i32
    %min3A_474 = arith.constant 1536 : i32
    %min3A_475 = arith.minsi %min3A_474, %add3A_470 : i32
    %gt3A_476 = arith.cmpi sgt, %min3A_475, %max3A_473 : i32
    %convert_element_type3A_477 = arith.extui %gt3A_476 : i1 to i32
    %cond3A_478 = arith.constant 0 : i32
    %cond3A_479 = arith.cmpi ne, %convert_element_type3A_477, %cond3A_478 : i32
    scf.if %cond3A_479 {
      %swap3A_745 = arith.constant 2 : i32
      %swap3A_746 = arith.index_cast %add3A_468 : i32 to index
      %swap3A_747 = memref.load %arg2[%swap3A_746] : memref<11xi32, #tpu.memory_space<smem>>
      memref.store %swap3A_745, %arg2[%swap3A_746] : memref<11xi32, #tpu.memory_space<smem>>
      %swap3A_748 = arith.constant 0 : i32
      %swap3A_749 = arith.index_cast %add3A_468 : i32 to index
      %swap3A_750 = memref.load %arg3[%swap3A_749] : memref<11xi32, #tpu.memory_space<smem>>
      memref.store %swap3A_748, %arg3[%swap3A_749] : memref<11xi32, #tpu.memory_space<smem>>
      %swap3A_751 = arith.index_cast %add3A_468 : i32 to index
      %swap3A_752 = memref.load %arg4[%swap3A_751] : memref<11xi32, #tpu.memory_space<smem>>
      memref.store %max3A_473, %arg4[%swap3A_751] : memref<11xi32, #tpu.memory_space<smem>>
      %swap3A_753 = arith.index_cast %add3A_468 : i32 to index
      %swap3A_754 = memref.load %arg5[%swap3A_753] : memref<11xi32, #tpu.memory_space<smem>>
      memref.store %min3A_475, %arg5[%swap3A_753] : memref<11xi32, #tpu.memory_space<smem>>
      %ne3A = arith.constant 2 : i32
      %ne3A_755 = arith.cmpi ne, %select_n3A_464, %ne3A : i32
      %jit3A_756 = arith.constant 1 : i32
      %jit3A_757 = arith.constant 0 : i32
      %select_n3A_758 = arith.select %ne3A_755, %jit3A_756, %jit3A_757 : i32
      %swap3A_759 = arith.index_cast %add3A_468 : i32 to index
      %swap3A_760 = memref.load %arg6[%swap3A_759] : memref<11xi32, #tpu.memory_space<smem>>
      memref.store %select_n3A_758, %arg6[%swap3A_759] : memref<11xi32, #tpu.memory_space<smem>>
    } else {
    }
    %jit3A_480 = arith.constant 2 : i32
    %select_n3A_481 = arith.select %gt3A_476, %jit3A_480, %select_n3A_464 : i32
    %jit3A_482 = arith.constant 0 : i32
    %select_n3A_483 = arith.select %gt3A_476, %jit3A_482, %select_n3A_466 : i32
    %convert_element_type3A_484 = arith.extui %gt3A_476 : i1 to i32
    %add3A_485 = arith.addi %add3A_468, %convert_element_type3A_484 : i32
    %add3A_486 = arith.addi %add3A_103, %reduce_sum3A_65 : i32
    %max3A_487 = arith.constant 1024 : i32
    %max3A_488 = arith.maxsi %max3A_487, %add3A_103 : i32
    %min3A_489 = arith.constant 1536 : i32
    %min3A_490 = arith.minsi %min3A_489, %add3A_486 : i32
    %gt3A_491 = arith.cmpi sgt, %min3A_490, %max3A_488 : i32
    %convert_element_type3A_492 = arith.extui %gt3A_491 : i1 to i32
    %cond3A_493 = arith.constant 0 : i32
    %cond3A_494 = arith.cmpi ne, %convert_element_type3A_492, %cond3A_493 : i32
    scf.if %cond3A_494 {
      %swap3A_745 = arith.constant 2 : i32
      %swap3A_746 = arith.index_cast %add3A_485 : i32 to index
      %swap3A_747 = memref.load %arg2[%swap3A_746] : memref<11xi32, #tpu.memory_space<smem>>
      memref.store %swap3A_745, %arg2[%swap3A_746] : memref<11xi32, #tpu.memory_space<smem>>
      %swap3A_748 = arith.constant 1 : i32
      %swap3A_749 = arith.index_cast %add3A_485 : i32 to index
      %swap3A_750 = memref.load %arg3[%swap3A_749] : memref<11xi32, #tpu.memory_space<smem>>
      memref.store %swap3A_748, %arg3[%swap3A_749] : memref<11xi32, #tpu.memory_space<smem>>
      %swap3A_751 = arith.index_cast %add3A_485 : i32 to index
      %swap3A_752 = memref.load %arg4[%swap3A_751] : memref<11xi32, #tpu.memory_space<smem>>
      memref.store %max3A_488, %arg4[%swap3A_751] : memref<11xi32, #tpu.memory_space<smem>>
      %swap3A_753 = arith.index_cast %add3A_485 : i32 to index
      %swap3A_754 = memref.load %arg5[%swap3A_753] : memref<11xi32, #tpu.memory_space<smem>>
      memref.store %min3A_490, %arg5[%swap3A_753] : memref<11xi32, #tpu.memory_space<smem>>
      %ne3A = arith.constant 2 : i32
      %ne3A_755 = arith.cmpi ne, %select_n3A_481, %ne3A : i32
      %jit3A_756 = arith.constant 1 : i32
      %jit3A_757 = arith.constant 0 : i32
      %select_n3A_758 = arith.select %ne3A_755, %jit3A_756, %jit3A_757 : i32
      %swap3A_759 = arith.index_cast %add3A_485 : i32 to index
      %swap3A_760 = memref.load %arg6[%swap3A_759] : memref<11xi32, #tpu.memory_space<smem>>
      memref.store %select_n3A_758, %arg6[%swap3A_759] : memref<11xi32, #tpu.memory_space<smem>>
    } else {
    }
    %jit3A_495 = arith.constant 2 : i32
    %select_n3A_496 = arith.select %gt3A_491, %jit3A_495, %select_n3A_481 : i32
    %jit3A_497 = arith.constant 1 : i32
    %select_n3A_498 = arith.select %gt3A_491, %jit3A_497, %select_n3A_483 : i32
    %convert_element_type3A_499 = arith.extui %gt3A_491 : i1 to i32
    %add3A_500 = arith.addi %add3A_485, %convert_element_type3A_499 : i32
    %add3A_501 = arith.addi %add3A_104, %reduce_sum3A_71 : i32
    %max3A_502 = arith.constant 1024 : i32
    %max3A_503 = arith.maxsi %max3A_502, %add3A_104 : i32
    %min3A_504 = arith.constant 1536 : i32
    %min3A_505 = arith.minsi %min3A_504, %add3A_501 : i32
    %gt3A_506 = arith.cmpi sgt, %min3A_505, %max3A_503 : i32
    %convert_element_type3A_507 = arith.extui %gt3A_506 : i1 to i32
    %cond3A_508 = arith.constant 0 : i32
    %cond3A_509 = arith.cmpi ne, %convert_element_type3A_507, %cond3A_508 : i32
    scf.if %cond3A_509 {
      %swap3A_745 = arith.constant 2 : i32
      %swap3A_746 = arith.index_cast %add3A_500 : i32 to index
      %swap3A_747 = memref.load %arg2[%swap3A_746] : memref<11xi32, #tpu.memory_space<smem>>
      memref.store %swap3A_745, %arg2[%swap3A_746] : memref<11xi32, #tpu.memory_space<smem>>
      %swap3A_748 = arith.constant 2 : i32
      %swap3A_749 = arith.index_cast %add3A_500 : i32 to index
      %swap3A_750 = memref.load %arg3[%swap3A_749] : memref<11xi32, #tpu.memory_space<smem>>
      memref.store %swap3A_748, %arg3[%swap3A_749] : memref<11xi32, #tpu.memory_space<smem>>
      %swap3A_751 = arith.index_cast %add3A_500 : i32 to index
      %swap3A_752 = memref.load %arg4[%swap3A_751] : memref<11xi32, #tpu.memory_space<smem>>
      memref.store %max3A_503, %arg4[%swap3A_751] : memref<11xi32, #tpu.memory_space<smem>>
      %swap3A_753 = arith.index_cast %add3A_500 : i32 to index
      %swap3A_754 = memref.load %arg5[%swap3A_753] : memref<11xi32, #tpu.memory_space<smem>>
      memref.store %min3A_505, %arg5[%swap3A_753] : memref<11xi32, #tpu.memory_space<smem>>
      %ne3A = arith.constant 2 : i32
      %ne3A_755 = arith.cmpi ne, %select_n3A_496, %ne3A : i32
      %jit3A_756 = arith.constant 1 : i32
      %jit3A_757 = arith.constant 0 : i32
      %select_n3A_758 = arith.select %ne3A_755, %jit3A_756, %jit3A_757 : i32
      %swap3A_759 = arith.index_cast %add3A_500 : i32 to index
      %swap3A_760 = memref.load %arg6[%swap3A_759] : memref<11xi32, #tpu.memory_space<smem>>
      memref.store %select_n3A_758, %arg6[%swap3A_759] : memref<11xi32, #tpu.memory_space<smem>>
    } else {
    }
    %jit3A_510 = arith.constant 2 : i32
    %select_n3A_511 = arith.select %gt3A_506, %jit3A_510, %select_n3A_496 : i32
    %jit3A_512 = arith.constant 2 : i32
    %select_n3A_513 = arith.select %gt3A_506, %jit3A_512, %select_n3A_498 : i32
    %convert_element_type3A_514 = arith.extui %gt3A_506 : i1 to i32
    %add3A_515 = arith.addi %add3A_500, %convert_element_type3A_514 : i32
    %add3A_516 = arith.addi %add3A_105, %reduce_sum3A_77 : i32
    %max3A_517 = arith.constant 1024 : i32
    %max3A_518 = arith.maxsi %max3A_517, %add3A_105 : i32
    %min3A_519 = arith.constant 1536 : i32
    %min3A_520 = arith.minsi %min3A_519, %add3A_516 : i32
    %gt3A_521 = arith.cmpi sgt, %min3A_520, %max3A_518 : i32
    %convert_element_type3A_522 = arith.extui %gt3A_521 : i1 to i32
    %cond3A_523 = arith.constant 0 : i32
    %cond3A_524 = arith.cmpi ne, %convert_element_type3A_522, %cond3A_523 : i32
    scf.if %cond3A_524 {
      %swap3A_745 = arith.constant 2 : i32
      %swap3A_746 = arith.index_cast %add3A_515 : i32 to index
      %swap3A_747 = memref.load %arg2[%swap3A_746] : memref<11xi32, #tpu.memory_space<smem>>
      memref.store %swap3A_745, %arg2[%swap3A_746] : memref<11xi32, #tpu.memory_space<smem>>
      %swap3A_748 = arith.constant 3 : i32
      %swap3A_749 = arith.index_cast %add3A_515 : i32 to index
      %swap3A_750 = memref.load %arg3[%swap3A_749] : memref<11xi32, #tpu.memory_space<smem>>
      memref.store %swap3A_748, %arg3[%swap3A_749] : memref<11xi32, #tpu.memory_space<smem>>
      %swap3A_751 = arith.index_cast %add3A_515 : i32 to index
      %swap3A_752 = memref.load %arg4[%swap3A_751] : memref<11xi32, #tpu.memory_space<smem>>
      memref.store %max3A_518, %arg4[%swap3A_751] : memref<11xi32, #tpu.memory_space<smem>>
      %swap3A_753 = arith.index_cast %add3A_515 : i32 to index
      %swap3A_754 = memref.load %arg5[%swap3A_753] : memref<11xi32, #tpu.memory_space<smem>>
      memref.store %min3A_520, %arg5[%swap3A_753] : memref<11xi32, #tpu.memory_space<smem>>
      %ne3A = arith.constant 2 : i32
      %ne3A_755 = arith.cmpi ne, %select_n3A_511, %ne3A : i32
      %jit3A_756 = arith.constant 1 : i32
      %jit3A_757 = arith.constant 0 : i32
      %select_n3A_758 = arith.select %ne3A_755, %jit3A_756, %jit3A_757 : i32
      %swap3A_759 = arith.index_cast %add3A_515 : i32 to index
      %swap3A_760 = memref.load %arg6[%swap3A_759] : memref<11xi32, #tpu.memory_space<smem>>
      memref.store %select_n3A_758, %arg6[%swap3A_759] : memref<11xi32, #tpu.memory_space<smem>>
    } else {
    }
    %jit3A_525 = arith.constant 2 : i32
    %select_n3A_526 = arith.select %gt3A_521, %jit3A_525, %select_n3A_511 : i32
    %jit3A_527 = arith.constant 3 : i32
    %select_n3A_528 = arith.select %gt3A_521, %jit3A_527, %select_n3A_513 : i32
    %convert_element_type3A_529 = arith.extui %gt3A_521 : i1 to i32
    %add3A_530 = arith.addi %add3A_515, %convert_element_type3A_529 : i32
    %add3A_531 = arith.addi %add3A_106, %reduce_sum3A_83 : i32
    %max3A_532 = arith.constant 1024 : i32
    %max3A_533 = arith.maxsi %max3A_532, %add3A_106 : i32
    %min3A_534 = arith.constant 1536 : i32
    %min3A_535 = arith.minsi %min3A_534, %add3A_531 : i32
    %gt3A_536 = arith.cmpi sgt, %min3A_535, %max3A_533 : i32
    %convert_element_type3A_537 = arith.extui %gt3A_536 : i1 to i32
    %cond3A_538 = arith.constant 0 : i32
    %cond3A_539 = arith.cmpi ne, %convert_element_type3A_537, %cond3A_538 : i32
    scf.if %cond3A_539 {
      %swap3A_745 = arith.constant 2 : i32
      %swap3A_746 = arith.index_cast %add3A_530 : i32 to index
      %swap3A_747 = memref.load %arg2[%swap3A_746] : memref<11xi32, #tpu.memory_space<smem>>
      memref.store %swap3A_745, %arg2[%swap3A_746] : memref<11xi32, #tpu.memory_space<smem>>
      %swap3A_748 = arith.constant 4 : i32
      %swap3A_749 = arith.index_cast %add3A_530 : i32 to index
      %swap3A_750 = memref.load %arg3[%swap3A_749] : memref<11xi32, #tpu.memory_space<smem>>
      memref.store %swap3A_748, %arg3[%swap3A_749] : memref<11xi32, #tpu.memory_space<smem>>
      %swap3A_751 = arith.index_cast %add3A_530 : i32 to index
      %swap3A_752 = memref.load %arg4[%swap3A_751] : memref<11xi32, #tpu.memory_space<smem>>
      memref.store %max3A_533, %arg4[%swap3A_751] : memref<11xi32, #tpu.memory_space<smem>>
      %swap3A_753 = arith.index_cast %add3A_530 : i32 to index
      %swap3A_754 = memref.load %arg5[%swap3A_753] : memref<11xi32, #tpu.memory_space<smem>>
      memref.store %min3A_535, %arg5[%swap3A_753] : memref<11xi32, #tpu.memory_space<smem>>
      %ne3A = arith.constant 2 : i32
      %ne3A_755 = arith.cmpi ne, %select_n3A_526, %ne3A : i32
      %jit3A_756 = arith.constant 1 : i32
      %jit3A_757 = arith.constant 0 : i32
      %select_n3A_758 = arith.select %ne3A_755, %jit3A_756, %jit3A_757 : i32
      %swap3A_759 = arith.index_cast %add3A_530 : i32 to index
      %swap3A_760 = memref.load %arg6[%swap3A_759] : memref<11xi32, #tpu.memory_space<smem>>
      memref.store %select_n3A_758, %arg6[%swap3A_759] : memref<11xi32, #tpu.memory_space<smem>>
    } else {
    }
    %jit3A_540 = arith.constant 2 : i32
    %select_n3A_541 = arith.select %gt3A_536, %jit3A_540, %select_n3A_526 : i32
    %jit3A_542 = arith.constant 4 : i32
    %select_n3A_543 = arith.select %gt3A_536, %jit3A_542, %select_n3A_528 : i32
    %convert_element_type3A_544 = arith.extui %gt3A_536 : i1 to i32
    %add3A_545 = arith.addi %add3A_530, %convert_element_type3A_544 : i32
    %add3A_546 = arith.addi %add3A_107, %reduce_sum3A_89 : i32
    %max3A_547 = arith.constant 1024 : i32
    %max3A_548 = arith.maxsi %max3A_547, %add3A_107 : i32
    %min3A_549 = arith.constant 1536 : i32
    %min3A_550 = arith.minsi %min3A_549, %add3A_546 : i32
    %gt3A_551 = arith.cmpi sgt, %min3A_550, %max3A_548 : i32
    %convert_element_type3A_552 = arith.extui %gt3A_551 : i1 to i32
    %cond3A_553 = arith.constant 0 : i32
    %cond3A_554 = arith.cmpi ne, %convert_element_type3A_552, %cond3A_553 : i32
    scf.if %cond3A_554 {
      %swap3A_745 = arith.constant 2 : i32
      %swap3A_746 = arith.index_cast %add3A_545 : i32 to index
      %swap3A_747 = memref.load %arg2[%swap3A_746] : memref<11xi32, #tpu.memory_space<smem>>
      memref.store %swap3A_745, %arg2[%swap3A_746] : memref<11xi32, #tpu.memory_space<smem>>
      %swap3A_748 = arith.constant 5 : i32
      %swap3A_749 = arith.index_cast %add3A_545 : i32 to index
      %swap3A_750 = memref.load %arg3[%swap3A_749] : memref<11xi32, #tpu.memory_space<smem>>
      memref.store %swap3A_748, %arg3[%swap3A_749] : memref<11xi32, #tpu.memory_space<smem>>
      %swap3A_751 = arith.index_cast %add3A_545 : i32 to index
      %swap3A_752 = memref.load %arg4[%swap3A_751] : memref<11xi32, #tpu.memory_space<smem>>
      memref.store %max3A_548, %arg4[%swap3A_751] : memref<11xi32, #tpu.memory_space<smem>>
      %swap3A_753 = arith.index_cast %add3A_545 : i32 to index
      %swap3A_754 = memref.load %arg5[%swap3A_753] : memref<11xi32, #tpu.memory_space<smem>>
      memref.store %min3A_550, %arg5[%swap3A_753] : memref<11xi32, #tpu.memory_space<smem>>
      %ne3A = arith.constant 2 : i32
      %ne3A_755 = arith.cmpi ne, %select_n3A_541, %ne3A : i32
      %jit3A_756 = arith.constant 1 : i32
      %jit3A_757 = arith.constant 0 : i32
      %select_n3A_758 = arith.select %ne3A_755, %jit3A_756, %jit3A_757 : i32
      %swap3A_759 = arith.index_cast %add3A_545 : i32 to index
      %swap3A_760 = memref.load %arg6[%swap3A_759] : memref<11xi32, #tpu.memory_space<smem>>
      memref.store %select_n3A_758, %arg6[%swap3A_759] : memref<11xi32, #tpu.memory_space<smem>>
    } else {
    }
    %jit3A_555 = arith.constant 2 : i32
    %select_n3A_556 = arith.select %gt3A_551, %jit3A_555, %select_n3A_541 : i32
    %jit3A_557 = arith.constant 5 : i32
    %select_n3A_558 = arith.select %gt3A_551, %jit3A_557, %select_n3A_543 : i32
    %convert_element_type3A_559 = arith.extui %gt3A_551 : i1 to i32
    %add3A_560 = arith.addi %add3A_545, %convert_element_type3A_559 : i32
    %add3A_561 = arith.addi %add3A_108, %reduce_sum3A_95 : i32
    %max3A_562 = arith.constant 1024 : i32
    %max3A_563 = arith.maxsi %max3A_562, %add3A_108 : i32
    %min3A_564 = arith.constant 1536 : i32
    %min3A_565 = arith.minsi %min3A_564, %add3A_561 : i32
    %gt3A_566 = arith.cmpi sgt, %min3A_565, %max3A_563 : i32
    %convert_element_type3A_567 = arith.extui %gt3A_566 : i1 to i32
    %cond3A_568 = arith.constant 0 : i32
    %cond3A_569 = arith.cmpi ne, %convert_element_type3A_567, %cond3A_568 : i32
    scf.if %cond3A_569 {
      %swap3A_745 = arith.constant 2 : i32
      %swap3A_746 = arith.index_cast %add3A_560 : i32 to index
      %swap3A_747 = memref.load %arg2[%swap3A_746] : memref<11xi32, #tpu.memory_space<smem>>
      memref.store %swap3A_745, %arg2[%swap3A_746] : memref<11xi32, #tpu.memory_space<smem>>
      %swap3A_748 = arith.constant 6 : i32
      %swap3A_749 = arith.index_cast %add3A_560 : i32 to index
      %swap3A_750 = memref.load %arg3[%swap3A_749] : memref<11xi32, #tpu.memory_space<smem>>
      memref.store %swap3A_748, %arg3[%swap3A_749] : memref<11xi32, #tpu.memory_space<smem>>
      %swap3A_751 = arith.index_cast %add3A_560 : i32 to index
      %swap3A_752 = memref.load %arg4[%swap3A_751] : memref<11xi32, #tpu.memory_space<smem>>
      memref.store %max3A_563, %arg4[%swap3A_751] : memref<11xi32, #tpu.memory_space<smem>>
      %swap3A_753 = arith.index_cast %add3A_560 : i32 to index
      %swap3A_754 = memref.load %arg5[%swap3A_753] : memref<11xi32, #tpu.memory_space<smem>>
      memref.store %min3A_565, %arg5[%swap3A_753] : memref<11xi32, #tpu.memory_space<smem>>
      %ne3A = arith.constant 2 : i32
      %ne3A_755 = arith.cmpi ne, %select_n3A_556, %ne3A : i32
      %jit3A_756 = arith.constant 1 : i32
      %jit3A_757 = arith.constant 0 : i32
      %select_n3A_758 = arith.select %ne3A_755, %jit3A_756, %jit3A_757 : i32
      %swap3A_759 = arith.index_cast %add3A_560 : i32 to index
      %swap3A_760 = memref.load %arg6[%swap3A_759] : memref<11xi32, #tpu.memory_space<smem>>
      memref.store %select_n3A_758, %arg6[%swap3A_759] : memref<11xi32, #tpu.memory_space<smem>>
    } else {
    }
    %jit3A_570 = arith.constant 2 : i32
    %select_n3A_571 = arith.select %gt3A_566, %jit3A_570, %select_n3A_556 : i32
    %jit3A_572 = arith.constant 6 : i32
    %select_n3A_573 = arith.select %gt3A_566, %jit3A_572, %select_n3A_558 : i32
    %convert_element_type3A_574 = arith.extui %gt3A_566 : i1 to i32
    %add3A_575 = arith.addi %add3A_560, %convert_element_type3A_574 : i32
    %add3A_576 = arith.addi %add3A_109, %reduce_sum3A_101 : i32
    %max3A_577 = arith.constant 1024 : i32
    %max3A_578 = arith.maxsi %max3A_577, %add3A_109 : i32
    %min3A_579 = arith.constant 1536 : i32
    %min3A_580 = arith.minsi %min3A_579, %add3A_576 : i32
    %gt3A_581 = arith.cmpi sgt, %min3A_580, %max3A_578 : i32
    %convert_element_type3A_582 = arith.extui %gt3A_581 : i1 to i32
    %cond3A_583 = arith.constant 0 : i32
    %cond3A_584 = arith.cmpi ne, %convert_element_type3A_582, %cond3A_583 : i32
    scf.if %cond3A_584 {
      %swap3A_745 = arith.constant 2 : i32
      %swap3A_746 = arith.index_cast %add3A_575 : i32 to index
      %swap3A_747 = memref.load %arg2[%swap3A_746] : memref<11xi32, #tpu.memory_space<smem>>
      memref.store %swap3A_745, %arg2[%swap3A_746] : memref<11xi32, #tpu.memory_space<smem>>
      %swap3A_748 = arith.constant 7 : i32
      %swap3A_749 = arith.index_cast %add3A_575 : i32 to index
      %swap3A_750 = memref.load %arg3[%swap3A_749] : memref<11xi32, #tpu.memory_space<smem>>
      memref.store %swap3A_748, %arg3[%swap3A_749] : memref<11xi32, #tpu.memory_space<smem>>
      %swap3A_751 = arith.index_cast %add3A_575 : i32 to index
      %swap3A_752 = memref.load %arg4[%swap3A_751] : memref<11xi32, #tpu.memory_space<smem>>
      memref.store %max3A_578, %arg4[%swap3A_751] : memref<11xi32, #tpu.memory_space<smem>>
      %swap3A_753 = arith.index_cast %add3A_575 : i32 to index
      %swap3A_754 = memref.load %arg5[%swap3A_753] : memref<11xi32, #tpu.memory_space<smem>>
      memref.store %min3A_580, %arg5[%swap3A_753] : memref<11xi32, #tpu.memory_space<smem>>
      %ne3A = arith.constant 2 : i32
      %ne3A_755 = arith.cmpi ne, %select_n3A_571, %ne3A : i32
      %jit3A_756 = arith.constant 1 : i32
      %jit3A_757 = arith.constant 0 : i32
      %select_n3A_758 = arith.select %ne3A_755, %jit3A_756, %jit3A_757 : i32
      %swap3A_759 = arith.index_cast %add3A_575 : i32 to index
      %swap3A_760 = memref.load %arg6[%swap3A_759] : memref<11xi32, #tpu.memory_space<smem>>
      memref.store %select_n3A_758, %arg6[%swap3A_759] : memref<11xi32, #tpu.memory_space<smem>>
    } else {
    }
    %jit3A_585 = arith.constant 2 : i32
    %select_n3A_586 = arith.select %gt3A_581, %jit3A_585, %select_n3A_571 : i32
    %jit3A_587 = arith.constant 7 : i32
    %select_n3A_588 = arith.select %gt3A_581, %jit3A_587, %select_n3A_573 : i32
    %convert_element_type3A_589 = arith.extui %gt3A_581 : i1 to i32
    %add3A_590 = arith.addi %add3A_575, %convert_element_type3A_589 : i32
    %add3A_591 = arith.constant 0 : i32
    %add3A_592 = arith.addi %add3A_591, %reduce_sum3A_59 : i32
    %max3A_593 = arith.constant 1536 : i32
    %max3A_594 = arith.constant 0 : i32
    %max3A_595 = arith.maxsi %max3A_593, %max3A_594 : i32
    %min3A_596 = arith.constant 2048 : i32
    %min3A_597 = arith.minsi %min3A_596, %add3A_592 : i32
    %gt3A_598 = arith.cmpi sgt, %min3A_597, %max3A_595 : i32
    %convert_element_type3A_599 = arith.extui %gt3A_598 : i1 to i32
    %cond3A_600 = arith.constant 0 : i32
    %cond3A_601 = arith.cmpi ne, %convert_element_type3A_599, %cond3A_600 : i32
    scf.if %cond3A_601 {
      %swap3A_745 = arith.constant 3 : i32
      %swap3A_746 = arith.index_cast %add3A_590 : i32 to index
      %swap3A_747 = memref.load %arg2[%swap3A_746] : memref<11xi32, #tpu.memory_space<smem>>
      memref.store %swap3A_745, %arg2[%swap3A_746] : memref<11xi32, #tpu.memory_space<smem>>
      %swap3A_748 = arith.constant 0 : i32
      %swap3A_749 = arith.index_cast %add3A_590 : i32 to index
      %swap3A_750 = memref.load %arg3[%swap3A_749] : memref<11xi32, #tpu.memory_space<smem>>
      memref.store %swap3A_748, %arg3[%swap3A_749] : memref<11xi32, #tpu.memory_space<smem>>
      %swap3A_751 = arith.index_cast %add3A_590 : i32 to index
      %swap3A_752 = memref.load %arg4[%swap3A_751] : memref<11xi32, #tpu.memory_space<smem>>
      memref.store %max3A_595, %arg4[%swap3A_751] : memref<11xi32, #tpu.memory_space<smem>>
      %swap3A_753 = arith.index_cast %add3A_590 : i32 to index
      %swap3A_754 = memref.load %arg5[%swap3A_753] : memref<11xi32, #tpu.memory_space<smem>>
      memref.store %min3A_597, %arg5[%swap3A_753] : memref<11xi32, #tpu.memory_space<smem>>
      %ne3A = arith.constant 3 : i32
      %ne3A_755 = arith.cmpi ne, %select_n3A_586, %ne3A : i32
      %jit3A_756 = arith.constant 1 : i32
      %jit3A_757 = arith.constant 0 : i32
      %select_n3A_758 = arith.select %ne3A_755, %jit3A_756, %jit3A_757 : i32
      %swap3A_759 = arith.index_cast %add3A_590 : i32 to index
      %swap3A_760 = memref.load %arg6[%swap3A_759] : memref<11xi32, #tpu.memory_space<smem>>
      memref.store %select_n3A_758, %arg6[%swap3A_759] : memref<11xi32, #tpu.memory_space<smem>>
    } else {
    }
    %jit3A_602 = arith.constant 3 : i32
    %select_n3A_603 = arith.select %gt3A_598, %jit3A_602, %select_n3A_586 : i32
    %jit3A_604 = arith.constant 0 : i32
    %select_n3A_605 = arith.select %gt3A_598, %jit3A_604, %select_n3A_588 : i32
    %convert_element_type3A_606 = arith.extui %gt3A_598 : i1 to i32
    %add3A_607 = arith.addi %add3A_590, %convert_element_type3A_606 : i32
    %add3A_608 = arith.addi %add3A_103, %reduce_sum3A_65 : i32
    %max3A_609 = arith.constant 1536 : i32
    %max3A_610 = arith.maxsi %max3A_609, %add3A_103 : i32
    %min3A_611 = arith.constant 2048 : i32
    %min3A_612 = arith.minsi %min3A_611, %add3A_608 : i32
    %gt3A_613 = arith.cmpi sgt, %min3A_612, %max3A_610 : i32
    %convert_element_type3A_614 = arith.extui %gt3A_613 : i1 to i32
    %cond3A_615 = arith.constant 0 : i32
    %cond3A_616 = arith.cmpi ne, %convert_element_type3A_614, %cond3A_615 : i32
    scf.if %cond3A_616 {
      %swap3A_745 = arith.constant 3 : i32
      %swap3A_746 = arith.index_cast %add3A_607 : i32 to index
      %swap3A_747 = memref.load %arg2[%swap3A_746] : memref<11xi32, #tpu.memory_space<smem>>
      memref.store %swap3A_745, %arg2[%swap3A_746] : memref<11xi32, #tpu.memory_space<smem>>
      %swap3A_748 = arith.constant 1 : i32
      %swap3A_749 = arith.index_cast %add3A_607 : i32 to index
      %swap3A_750 = memref.load %arg3[%swap3A_749] : memref<11xi32, #tpu.memory_space<smem>>
      memref.store %swap3A_748, %arg3[%swap3A_749] : memref<11xi32, #tpu.memory_space<smem>>
      %swap3A_751 = arith.index_cast %add3A_607 : i32 to index
      %swap3A_752 = memref.load %arg4[%swap3A_751] : memref<11xi32, #tpu.memory_space<smem>>
      memref.store %max3A_610, %arg4[%swap3A_751] : memref<11xi32, #tpu.memory_space<smem>>
      %swap3A_753 = arith.index_cast %add3A_607 : i32 to index
      %swap3A_754 = memref.load %arg5[%swap3A_753] : memref<11xi32, #tpu.memory_space<smem>>
      memref.store %min3A_612, %arg5[%swap3A_753] : memref<11xi32, #tpu.memory_space<smem>>
      %ne3A = arith.constant 3 : i32
      %ne3A_755 = arith.cmpi ne, %select_n3A_603, %ne3A : i32
      %jit3A_756 = arith.constant 1 : i32
      %jit3A_757 = arith.constant 0 : i32
      %select_n3A_758 = arith.select %ne3A_755, %jit3A_756, %jit3A_757 : i32
      %swap3A_759 = arith.index_cast %add3A_607 : i32 to index
      %swap3A_760 = memref.load %arg6[%swap3A_759] : memref<11xi32, #tpu.memory_space<smem>>
      memref.store %select_n3A_758, %arg6[%swap3A_759] : memref<11xi32, #tpu.memory_space<smem>>
    } else {
    }
    %jit3A_617 = arith.constant 3 : i32
    %select_n3A_618 = arith.select %gt3A_613, %jit3A_617, %select_n3A_603 : i32
    %jit3A_619 = arith.constant 1 : i32
    %select_n3A_620 = arith.select %gt3A_613, %jit3A_619, %select_n3A_605 : i32
    %convert_element_type3A_621 = arith.extui %gt3A_613 : i1 to i32
    %add3A_622 = arith.addi %add3A_607, %convert_element_type3A_621 : i32
    %add3A_623 = arith.addi %add3A_104, %reduce_sum3A_71 : i32
    %max3A_624 = arith.constant 1536 : i32
    %max3A_625 = arith.maxsi %max3A_624, %add3A_104 : i32
    %min3A_626 = arith.constant 2048 : i32
    %min3A_627 = arith.minsi %min3A_626, %add3A_623 : i32
    %gt3A_628 = arith.cmpi sgt, %min3A_627, %max3A_625 : i32
    %convert_element_type3A_629 = arith.extui %gt3A_628 : i1 to i32
    %cond3A_630 = arith.constant 0 : i32
    %cond3A_631 = arith.cmpi ne, %convert_element_type3A_629, %cond3A_630 : i32
    scf.if %cond3A_631 {
      %swap3A_745 = arith.constant 3 : i32
      %swap3A_746 = arith.index_cast %add3A_622 : i32 to index
      %swap3A_747 = memref.load %arg2[%swap3A_746] : memref<11xi32, #tpu.memory_space<smem>>
      memref.store %swap3A_745, %arg2[%swap3A_746] : memref<11xi32, #tpu.memory_space<smem>>
      %swap3A_748 = arith.constant 2 : i32
      %swap3A_749 = arith.index_cast %add3A_622 : i32 to index
      %swap3A_750 = memref.load %arg3[%swap3A_749] : memref<11xi32, #tpu.memory_space<smem>>
      memref.store %swap3A_748, %arg3[%swap3A_749] : memref<11xi32, #tpu.memory_space<smem>>
      %swap3A_751 = arith.index_cast %add3A_622 : i32 to index
      %swap3A_752 = memref.load %arg4[%swap3A_751] : memref<11xi32, #tpu.memory_space<smem>>
      memref.store %max3A_625, %arg4[%swap3A_751] : memref<11xi32, #tpu.memory_space<smem>>
      %swap3A_753 = arith.index_cast %add3A_622 : i32 to index
      %swap3A_754 = memref.load %arg5[%swap3A_753] : memref<11xi32, #tpu.memory_space<smem>>
      memref.store %min3A_627, %arg5[%swap3A_753] : memref<11xi32, #tpu.memory_space<smem>>
      %ne3A = arith.constant 3 : i32
      %ne3A_755 = arith.cmpi ne, %select_n3A_618, %ne3A : i32
      %jit3A_756 = arith.constant 1 : i32
      %jit3A_757 = arith.constant 0 : i32
      %select_n3A_758 = arith.select %ne3A_755, %jit3A_756, %jit3A_757 : i32
      %swap3A_759 = arith.index_cast %add3A_622 : i32 to index
      %swap3A_760 = memref.load %arg6[%swap3A_759] : memref<11xi32, #tpu.memory_space<smem>>
      memref.store %select_n3A_758, %arg6[%swap3A_759] : memref<11xi32, #tpu.memory_space<smem>>
    } else {
    }
    %jit3A_632 = arith.constant 3 : i32
    %select_n3A_633 = arith.select %gt3A_628, %jit3A_632, %select_n3A_618 : i32
    %jit3A_634 = arith.constant 2 : i32
    %select_n3A_635 = arith.select %gt3A_628, %jit3A_634, %select_n3A_620 : i32
    %convert_element_type3A_636 = arith.extui %gt3A_628 : i1 to i32
    %add3A_637 = arith.addi %add3A_622, %convert_element_type3A_636 : i32
    %add3A_638 = arith.addi %add3A_105, %reduce_sum3A_77 : i32
    %max3A_639 = arith.constant 1536 : i32
    %max3A_640 = arith.maxsi %max3A_639, %add3A_105 : i32
    %min3A_641 = arith.constant 2048 : i32
    %min3A_642 = arith.minsi %min3A_641, %add3A_638 : i32
    %gt3A_643 = arith.cmpi sgt, %min3A_642, %max3A_640 : i32
    %convert_element_type3A_644 = arith.extui %gt3A_643 : i1 to i32
    %cond3A_645 = arith.constant 0 : i32
    %cond3A_646 = arith.cmpi ne, %convert_element_type3A_644, %cond3A_645 : i32
    scf.if %cond3A_646 {
      %swap3A_745 = arith.constant 3 : i32
      %swap3A_746 = arith.index_cast %add3A_637 : i32 to index
      %swap3A_747 = memref.load %arg2[%swap3A_746] : memref<11xi32, #tpu.memory_space<smem>>
      memref.store %swap3A_745, %arg2[%swap3A_746] : memref<11xi32, #tpu.memory_space<smem>>
      %swap3A_748 = arith.constant 3 : i32
      %swap3A_749 = arith.index_cast %add3A_637 : i32 to index
      %swap3A_750 = memref.load %arg3[%swap3A_749] : memref<11xi32, #tpu.memory_space<smem>>
      memref.store %swap3A_748, %arg3[%swap3A_749] : memref<11xi32, #tpu.memory_space<smem>>
      %swap3A_751 = arith.index_cast %add3A_637 : i32 to index
      %swap3A_752 = memref.load %arg4[%swap3A_751] : memref<11xi32, #tpu.memory_space<smem>>
      memref.store %max3A_640, %arg4[%swap3A_751] : memref<11xi32, #tpu.memory_space<smem>>
      %swap3A_753 = arith.index_cast %add3A_637 : i32 to index
      %swap3A_754 = memref.load %arg5[%swap3A_753] : memref<11xi32, #tpu.memory_space<smem>>
      memref.store %min3A_642, %arg5[%swap3A_753] : memref<11xi32, #tpu.memory_space<smem>>
      %ne3A = arith.constant 3 : i32
      %ne3A_755 = arith.cmpi ne, %select_n3A_633, %ne3A : i32
      %jit3A_756 = arith.constant 1 : i32
      %jit3A_757 = arith.constant 0 : i32
      %select_n3A_758 = arith.select %ne3A_755, %jit3A_756, %jit3A_757 : i32
      %swap3A_759 = arith.index_cast %add3A_637 : i32 to index
      %swap3A_760 = memref.load %arg6[%swap3A_759] : memref<11xi32, #tpu.memory_space<smem>>
      memref.store %select_n3A_758, %arg6[%swap3A_759] : memref<11xi32, #tpu.memory_space<smem>>
    } else {
    }
    %jit3A_647 = arith.constant 3 : i32
    %select_n3A_648 = arith.select %gt3A_643, %jit3A_647, %select_n3A_633 : i32
    %jit3A_649 = arith.constant 3 : i32
    %select_n3A_650 = arith.select %gt3A_643, %jit3A_649, %select_n3A_635 : i32
    %convert_element_type3A_651 = arith.extui %gt3A_643 : i1 to i32
    %add3A_652 = arith.addi %add3A_637, %convert_element_type3A_651 : i32
    %add3A_653 = arith.addi %add3A_106, %reduce_sum3A_83 : i32
    %max3A_654 = arith.constant 1536 : i32
    %max3A_655 = arith.maxsi %max3A_654, %add3A_106 : i32
    %min3A_656 = arith.constant 2048 : i32
    %min3A_657 = arith.minsi %min3A_656, %add3A_653 : i32
    %gt3A_658 = arith.cmpi sgt, %min3A_657, %max3A_655 : i32
    %convert_element_type3A_659 = arith.extui %gt3A_658 : i1 to i32
    %cond3A_660 = arith.constant 0 : i32
    %cond3A_661 = arith.cmpi ne, %convert_element_type3A_659, %cond3A_660 : i32
    scf.if %cond3A_661 {
      %swap3A_745 = arith.constant 3 : i32
      %swap3A_746 = arith.index_cast %add3A_652 : i32 to index
      %swap3A_747 = memref.load %arg2[%swap3A_746] : memref<11xi32, #tpu.memory_space<smem>>
      memref.store %swap3A_745, %arg2[%swap3A_746] : memref<11xi32, #tpu.memory_space<smem>>
      %swap3A_748 = arith.constant 4 : i32
      %swap3A_749 = arith.index_cast %add3A_652 : i32 to index
      %swap3A_750 = memref.load %arg3[%swap3A_749] : memref<11xi32, #tpu.memory_space<smem>>
      memref.store %swap3A_748, %arg3[%swap3A_749] : memref<11xi32, #tpu.memory_space<smem>>
      %swap3A_751 = arith.index_cast %add3A_652 : i32 to index
      %swap3A_752 = memref.load %arg4[%swap3A_751] : memref<11xi32, #tpu.memory_space<smem>>
      memref.store %max3A_655, %arg4[%swap3A_751] : memref<11xi32, #tpu.memory_space<smem>>
      %swap3A_753 = arith.index_cast %add3A_652 : i32 to index
      %swap3A_754 = memref.load %arg5[%swap3A_753] : memref<11xi32, #tpu.memory_space<smem>>
      memref.store %min3A_657, %arg5[%swap3A_753] : memref<11xi32, #tpu.memory_space<smem>>
      %ne3A = arith.constant 3 : i32
      %ne3A_755 = arith.cmpi ne, %select_n3A_648, %ne3A : i32
      %jit3A_756 = arith.constant 1 : i32
      %jit3A_757 = arith.constant 0 : i32
      %select_n3A_758 = arith.select %ne3A_755, %jit3A_756, %jit3A_757 : i32
      %swap3A_759 = arith.index_cast %add3A_652 : i32 to index
      %swap3A_760 = memref.load %arg6[%swap3A_759] : memref<11xi32, #tpu.memory_space<smem>>
      memref.store %select_n3A_758, %arg6[%swap3A_759] : memref<11xi32, #tpu.memory_space<smem>>
    } else {
    }
    %jit3A_662 = arith.constant 3 : i32
    %select_n3A_663 = arith.select %gt3A_658, %jit3A_662, %select_n3A_648 : i32
    %jit3A_664 = arith.constant 4 : i32
    %select_n3A_665 = arith.select %gt3A_658, %jit3A_664, %select_n3A_650 : i32
    %convert_element_type3A_666 = arith.extui %gt3A_658 : i1 to i32
    %add3A_667 = arith.addi %add3A_652, %convert_element_type3A_666 : i32
    %add3A_668 = arith.addi %add3A_107, %reduce_sum3A_89 : i32
    %max3A_669 = arith.constant 1536 : i32
    %max3A_670 = arith.maxsi %max3A_669, %add3A_107 : i32
    %min3A_671 = arith.constant 2048 : i32
    %min3A_672 = arith.minsi %min3A_671, %add3A_668 : i32
    %gt3A_673 = arith.cmpi sgt, %min3A_672, %max3A_670 : i32
    %convert_element_type3A_674 = arith.extui %gt3A_673 : i1 to i32
    %cond3A_675 = arith.constant 0 : i32
    %cond3A_676 = arith.cmpi ne, %convert_element_type3A_674, %cond3A_675 : i32
    scf.if %cond3A_676 {
      %swap3A_745 = arith.constant 3 : i32
      %swap3A_746 = arith.index_cast %add3A_667 : i32 to index
      %swap3A_747 = memref.load %arg2[%swap3A_746] : memref<11xi32, #tpu.memory_space<smem>>
      memref.store %swap3A_745, %arg2[%swap3A_746] : memref<11xi32, #tpu.memory_space<smem>>
      %swap3A_748 = arith.constant 5 : i32
      %swap3A_749 = arith.index_cast %add3A_667 : i32 to index
      %swap3A_750 = memref.load %arg3[%swap3A_749] : memref<11xi32, #tpu.memory_space<smem>>
      memref.store %swap3A_748, %arg3[%swap3A_749] : memref<11xi32, #tpu.memory_space<smem>>
      %swap3A_751 = arith.index_cast %add3A_667 : i32 to index
      %swap3A_752 = memref.load %arg4[%swap3A_751] : memref<11xi32, #tpu.memory_space<smem>>
      memref.store %max3A_670, %arg4[%swap3A_751] : memref<11xi32, #tpu.memory_space<smem>>
      %swap3A_753 = arith.index_cast %add3A_667 : i32 to index
      %swap3A_754 = memref.load %arg5[%swap3A_753] : memref<11xi32, #tpu.memory_space<smem>>
      memref.store %min3A_672, %arg5[%swap3A_753] : memref<11xi32, #tpu.memory_space<smem>>
      %ne3A = arith.constant 3 : i32
      %ne3A_755 = arith.cmpi ne, %select_n3A_663, %ne3A : i32
      %jit3A_756 = arith.constant 1 : i32
      %jit3A_757 = arith.constant 0 : i32
      %select_n3A_758 = arith.select %ne3A_755, %jit3A_756, %jit3A_757 : i32
      %swap3A_759 = arith.index_cast %add3A_667 : i32 to index
      %swap3A_760 = memref.load %arg6[%swap3A_759] : memref<11xi32, #tpu.memory_space<smem>>
      memref.store %select_n3A_758, %arg6[%swap3A_759] : memref<11xi32, #tpu.memory_space<smem>>
    } else {
    }
    %jit3A_677 = arith.constant 3 : i32
    %select_n3A_678 = arith.select %gt3A_673, %jit3A_677, %select_n3A_663 : i32
    %jit3A_679 = arith.constant 5 : i32
    %select_n3A_680 = arith.select %gt3A_673, %jit3A_679, %select_n3A_665 : i32
    %convert_element_type3A_681 = arith.extui %gt3A_673 : i1 to i32
    %add3A_682 = arith.addi %add3A_667, %convert_element_type3A_681 : i32
    %add3A_683 = arith.addi %add3A_108, %reduce_sum3A_95 : i32
    %max3A_684 = arith.constant 1536 : i32
    %max3A_685 = arith.maxsi %max3A_684, %add3A_108 : i32
    %min3A_686 = arith.constant 2048 : i32
    %min3A_687 = arith.minsi %min3A_686, %add3A_683 : i32
    %gt3A_688 = arith.cmpi sgt, %min3A_687, %max3A_685 : i32
    %convert_element_type3A_689 = arith.extui %gt3A_688 : i1 to i32
    %cond3A_690 = arith.constant 0 : i32
    %cond3A_691 = arith.cmpi ne, %convert_element_type3A_689, %cond3A_690 : i32
    scf.if %cond3A_691 {
      %swap3A_745 = arith.constant 3 : i32
      %swap3A_746 = arith.index_cast %add3A_682 : i32 to index
      %swap3A_747 = memref.load %arg2[%swap3A_746] : memref<11xi32, #tpu.memory_space<smem>>
      memref.store %swap3A_745, %arg2[%swap3A_746] : memref<11xi32, #tpu.memory_space<smem>>
      %swap3A_748 = arith.constant 6 : i32
      %swap3A_749 = arith.index_cast %add3A_682 : i32 to index
      %swap3A_750 = memref.load %arg3[%swap3A_749] : memref<11xi32, #tpu.memory_space<smem>>
      memref.store %swap3A_748, %arg3[%swap3A_749] : memref<11xi32, #tpu.memory_space<smem>>
      %swap3A_751 = arith.index_cast %add3A_682 : i32 to index
      %swap3A_752 = memref.load %arg4[%swap3A_751] : memref<11xi32, #tpu.memory_space<smem>>
      memref.store %max3A_685, %arg4[%swap3A_751] : memref<11xi32, #tpu.memory_space<smem>>
      %swap3A_753 = arith.index_cast %add3A_682 : i32 to index
      %swap3A_754 = memref.load %arg5[%swap3A_753] : memref<11xi32, #tpu.memory_space<smem>>
      memref.store %min3A_687, %arg5[%swap3A_753] : memref<11xi32, #tpu.memory_space<smem>>
      %ne3A = arith.constant 3 : i32
      %ne3A_755 = arith.cmpi ne, %select_n3A_678, %ne3A : i32
      %jit3A_756 = arith.constant 1 : i32
      %jit3A_757 = arith.constant 0 : i32
      %select_n3A_758 = arith.select %ne3A_755, %jit3A_756, %jit3A_757 : i32
      %swap3A_759 = arith.index_cast %add3A_682 : i32 to index
      %swap3A_760 = memref.load %arg6[%swap3A_759] : memref<11xi32, #tpu.memory_space<smem>>
      memref.store %select_n3A_758, %arg6[%swap3A_759] : memref<11xi32, #tpu.memory_space<smem>>
    } else {
    }
    %jit3A_692 = arith.constant 3 : i32
    %select_n3A_693 = arith.select %gt3A_688, %jit3A_692, %select_n3A_678 : i32
    %jit3A_694 = arith.constant 6 : i32
    %select_n3A_695 = arith.select %gt3A_688, %jit3A_694, %select_n3A_680 : i32
    %convert_element_type3A_696 = arith.extui %gt3A_688 : i1 to i32
    %add3A_697 = arith.addi %add3A_682, %convert_element_type3A_696 : i32
    %add3A_698 = arith.addi %add3A_109, %reduce_sum3A_101 : i32
    %max3A_699 = arith.constant 1536 : i32
    %max3A_700 = arith.maxsi %max3A_699, %add3A_109 : i32
    %min3A_701 = arith.constant 2048 : i32
    %min3A_702 = arith.minsi %min3A_701, %add3A_698 : i32
    %gt3A_703 = arith.cmpi sgt, %min3A_702, %max3A_700 : i32
    %convert_element_type3A_704 = arith.extui %gt3A_703 : i1 to i32
    %cond3A_705 = arith.constant 0 : i32
    %cond3A_706 = arith.cmpi ne, %convert_element_type3A_704, %cond3A_705 : i32
    scf.if %cond3A_706 {
      %swap3A_745 = arith.constant 3 : i32
      %swap3A_746 = arith.index_cast %add3A_697 : i32 to index
      %swap3A_747 = memref.load %arg2[%swap3A_746] : memref<11xi32, #tpu.memory_space<smem>>
      memref.store %swap3A_745, %arg2[%swap3A_746] : memref<11xi32, #tpu.memory_space<smem>>
      %swap3A_748 = arith.constant 7 : i32
      %swap3A_749 = arith.index_cast %add3A_697 : i32 to index
      %swap3A_750 = memref.load %arg3[%swap3A_749] : memref<11xi32, #tpu.memory_space<smem>>
      memref.store %swap3A_748, %arg3[%swap3A_749] : memref<11xi32, #tpu.memory_space<smem>>
      %swap3A_751 = arith.index_cast %add3A_697 : i32 to index
      %swap3A_752 = memref.load %arg4[%swap3A_751] : memref<11xi32, #tpu.memory_space<smem>>
      memref.store %max3A_700, %arg4[%swap3A_751] : memref<11xi32, #tpu.memory_space<smem>>
      %swap3A_753 = arith.index_cast %add3A_697 : i32 to index
      %swap3A_754 = memref.load %arg5[%swap3A_753] : memref<11xi32, #tpu.memory_space<smem>>
      memref.store %min3A_702, %arg5[%swap3A_753] : memref<11xi32, #tpu.memory_space<smem>>
      %ne3A = arith.constant 3 : i32
      %ne3A_755 = arith.cmpi ne, %select_n3A_693, %ne3A : i32
      %jit3A_756 = arith.constant 1 : i32
      %jit3A_757 = arith.constant 0 : i32
      %select_n3A_758 = arith.select %ne3A_755, %jit3A_756, %jit3A_757 : i32
      %swap3A_759 = arith.index_cast %add3A_697 : i32 to index
      %swap3A_760 = memref.load %arg6[%swap3A_759] : memref<11xi32, #tpu.memory_space<smem>>
      memref.store %select_n3A_758, %arg6[%swap3A_759] : memref<11xi32, #tpu.memory_space<smem>>
    } else {
    }
    %jit3A_707 = arith.constant 7 : i32
    %select_n3A_708 = arith.select %gt3A_703, %jit3A_707, %select_n3A_695 : i32
    %convert_element_type3A_709 = arith.extui %gt3A_703 : i1 to i32
    %add3A_710 = arith.addi %add3A_697, %convert_element_type3A_709 : i32
    %le3A = arith.constant 4 : i32
    %le3A_711 = arith.cmpi sle, %add3A_710, %le3A : i32
    %convert_element_type3A_712 = arith.extui %le3A_711 : i1 to i32
    %cond3A_713 = arith.constant 0 : i32
    %cond3A_714 = arith.cmpi ne, %convert_element_type3A_712, %cond3A_713 : i32
    scf.if %cond3A_714 {
      %swap3A_745 = arith.constant 3 : i32
      %swap3A_746 = arith.constant 4 : index
      %swap3A_747 = memref.load %arg2[%swap3A_746] : memref<11xi32, #tpu.memory_space<smem>>
      memref.store %swap3A_745, %arg2[%swap3A_746] : memref<11xi32, #tpu.memory_space<smem>>
      %swap3A_748 = arith.constant 4 : index
      %swap3A_749 = memref.load %arg3[%swap3A_748] : memref<11xi32, #tpu.memory_space<smem>>
      memref.store %select_n3A_708, %arg3[%swap3A_748] : memref<11xi32, #tpu.memory_space<smem>>
      %swap3A_750 = arith.constant 0 : i32
      %swap3A_751 = arith.constant 4 : index
      %swap3A_752 = memref.load %arg4[%swap3A_751] : memref<11xi32, #tpu.memory_space<smem>>
      memref.store %swap3A_750, %arg4[%swap3A_751] : memref<11xi32, #tpu.memory_space<smem>>
      %swap3A_753 = arith.constant 0 : i32
      %swap3A_754 = arith.constant 4 : index
      %swap3A_755 = memref.load %arg5[%swap3A_754] : memref<11xi32, #tpu.memory_space<smem>>
      memref.store %swap3A_753, %arg5[%swap3A_754] : memref<11xi32, #tpu.memory_space<smem>>
      %swap3A_756 = arith.constant 0 : i32
      %swap3A_757 = arith.constant 4 : index
      %swap3A_758 = memref.load %arg6[%swap3A_757] : memref<11xi32, #tpu.memory_space<smem>>
      memref.store %swap3A_756, %arg6[%swap3A_757] : memref<11xi32, #tpu.memory_space<smem>>
    } else {
    }
    %le3A_715 = arith.constant 5 : i32
    %le3A_716 = arith.cmpi sle, %add3A_710, %le3A_715 : i32
    %convert_element_type3A_717 = arith.extui %le3A_716 : i1 to i32
    %cond3A_718 = arith.constant 0 : i32
    %cond3A_719 = arith.cmpi ne, %convert_element_type3A_717, %cond3A_718 : i32
    scf.if %cond3A_719 {
      %swap3A_745 = arith.constant 3 : i32
      %swap3A_746 = arith.constant 5 : index
      %swap3A_747 = memref.load %arg2[%swap3A_746] : memref<11xi32, #tpu.memory_space<smem>>
      memref.store %swap3A_745, %arg2[%swap3A_746] : memref<11xi32, #tpu.memory_space<smem>>
      %swap3A_748 = arith.constant 5 : index
      %swap3A_749 = memref.load %arg3[%swap3A_748] : memref<11xi32, #tpu.memory_space<smem>>
      memref.store %select_n3A_708, %arg3[%swap3A_748] : memref<11xi32, #tpu.memory_space<smem>>
      %swap3A_750 = arith.constant 0 : i32
      %swap3A_751 = arith.constant 5 : index
      %swap3A_752 = memref.load %arg4[%swap3A_751] : memref<11xi32, #tpu.memory_space<smem>>
      memref.store %swap3A_750, %arg4[%swap3A_751] : memref<11xi32, #tpu.memory_space<smem>>
      %swap3A_753 = arith.constant 0 : i32
      %swap3A_754 = arith.constant 5 : index
      %swap3A_755 = memref.load %arg5[%swap3A_754] : memref<11xi32, #tpu.memory_space<smem>>
      memref.store %swap3A_753, %arg5[%swap3A_754] : memref<11xi32, #tpu.memory_space<smem>>
      %swap3A_756 = arith.constant 0 : i32
      %swap3A_757 = arith.constant 5 : index
      %swap3A_758 = memref.load %arg6[%swap3A_757] : memref<11xi32, #tpu.memory_space<smem>>
      memref.store %swap3A_756, %arg6[%swap3A_757] : memref<11xi32, #tpu.memory_space<smem>>
    } else {
    }
    %le3A_720 = arith.constant 6 : i32
    %le3A_721 = arith.cmpi sle, %add3A_710, %le3A_720 : i32
    %convert_element_type3A_722 = arith.extui %le3A_721 : i1 to i32
    %cond3A_723 = arith.constant 0 : i32
    %cond3A_724 = arith.cmpi ne, %convert_element_type3A_722, %cond3A_723 : i32
    scf.if %cond3A_724 {
      %swap3A_745 = arith.constant 3 : i32
      %swap3A_746 = arith.constant 6 : index
      %swap3A_747 = memref.load %arg2[%swap3A_746] : memref<11xi32, #tpu.memory_space<smem>>
      memref.store %swap3A_745, %arg2[%swap3A_746] : memref<11xi32, #tpu.memory_space<smem>>
      %swap3A_748 = arith.constant 6 : index
      %swap3A_749 = memref.load %arg3[%swap3A_748] : memref<11xi32, #tpu.memory_space<smem>>
      memref.store %select_n3A_708, %arg3[%swap3A_748] : memref<11xi32, #tpu.memory_space<smem>>
      %swap3A_750 = arith.constant 0 : i32
      %swap3A_751 = arith.constant 6 : index
      %swap3A_752 = memref.load %arg4[%swap3A_751] : memref<11xi32, #tpu.memory_space<smem>>
      memref.store %swap3A_750, %arg4[%swap3A_751] : memref<11xi32, #tpu.memory_space<smem>>
      %swap3A_753 = arith.constant 0 : i32
      %swap3A_754 = arith.constant 6 : index
      %swap3A_755 = memref.load %arg5[%swap3A_754] : memref<11xi32, #tpu.memory_space<smem>>
      memref.store %swap3A_753, %arg5[%swap3A_754] : memref<11xi32, #tpu.memory_space<smem>>
      %swap3A_756 = arith.constant 0 : i32
      %swap3A_757 = arith.constant 6 : index
      %swap3A_758 = memref.load %arg6[%swap3A_757] : memref<11xi32, #tpu.memory_space<smem>>
      memref.store %swap3A_756, %arg6[%swap3A_757] : memref<11xi32, #tpu.memory_space<smem>>
    } else {
    }
    %le3A_725 = arith.constant 7 : i32
    %le3A_726 = arith.cmpi sle, %add3A_710, %le3A_725 : i32
    %convert_element_type3A_727 = arith.extui %le3A_726 : i1 to i32
    %cond3A_728 = arith.constant 0 : i32
    %cond3A_729 = arith.cmpi ne, %convert_element_type3A_727, %cond3A_728 : i32
    scf.if %cond3A_729 {
      %swap3A_745 = arith.constant 3 : i32
      %swap3A_746 = arith.constant 7 : index
      %swap3A_747 = memref.load %arg2[%swap3A_746] : memref<11xi32, #tpu.memory_space<smem>>
      memref.store %swap3A_745, %arg2[%swap3A_746] : memref<11xi32, #tpu.memory_space<smem>>
      %swap3A_748 = arith.constant 7 : index
      %swap3A_749 = memref.load %arg3[%swap3A_748] : memref<11xi32, #tpu.memory_space<smem>>
      memref.store %select_n3A_708, %arg3[%swap3A_748] : memref<11xi32, #tpu.memory_space<smem>>
      %swap3A_750 = arith.constant 0 : i32
      %swap3A_751 = arith.constant 7 : index
      %swap3A_752 = memref.load %arg4[%swap3A_751] : memref<11xi32, #tpu.memory_space<smem>>
      memref.store %swap3A_750, %arg4[%swap3A_751] : memref<11xi32, #tpu.memory_space<smem>>
      %swap3A_753 = arith.constant 0 : i32
      %swap3A_754 = arith.constant 7 : index
      %swap3A_755 = memref.load %arg5[%swap3A_754] : memref<11xi32, #tpu.memory_space<smem>>
      memref.store %swap3A_753, %arg5[%swap3A_754] : memref<11xi32, #tpu.memory_space<smem>>
      %swap3A_756 = arith.constant 0 : i32
      %swap3A_757 = arith.constant 7 : index
      %swap3A_758 = memref.load %arg6[%swap3A_757] : memref<11xi32, #tpu.memory_space<smem>>
      memref.store %swap3A_756, %arg6[%swap3A_757] : memref<11xi32, #tpu.memory_space<smem>>
    } else {
    }
    %le3A_730 = arith.constant 8 : i32
    %le3A_731 = arith.cmpi sle, %add3A_710, %le3A_730 : i32
    %convert_element_type3A_732 = arith.extui %le3A_731 : i1 to i32
    %cond3A_733 = arith.constant 0 : i32
    %cond3A_734 = arith.cmpi ne, %convert_element_type3A_732, %cond3A_733 : i32
    scf.if %cond3A_734 {
      %swap3A_745 = arith.constant 3 : i32
      %swap3A_746 = arith.constant 8 : index
      %swap3A_747 = memref.load %arg2[%swap3A_746] : memref<11xi32, #tpu.memory_space<smem>>
      memref.store %swap3A_745, %arg2[%swap3A_746] : memref<11xi32, #tpu.memory_space<smem>>
      %swap3A_748 = arith.constant 8 : index
      %swap3A_749 = memref.load %arg3[%swap3A_748] : memref<11xi32, #tpu.memory_space<smem>>
      memref.store %select_n3A_708, %arg3[%swap3A_748] : memref<11xi32, #tpu.memory_space<smem>>
      %swap3A_750 = arith.constant 0 : i32
      %swap3A_751 = arith.constant 8 : index
      %swap3A_752 = memref.load %arg4[%swap3A_751] : memref<11xi32, #tpu.memory_space<smem>>
      memref.store %swap3A_750, %arg4[%swap3A_751] : memref<11xi32, #tpu.memory_space<smem>>
      %swap3A_753 = arith.constant 0 : i32
      %swap3A_754 = arith.constant 8 : index
      %swap3A_755 = memref.load %arg5[%swap3A_754] : memref<11xi32, #tpu.memory_space<smem>>
      memref.store %swap3A_753, %arg5[%swap3A_754] : memref<11xi32, #tpu.memory_space<smem>>
      %swap3A_756 = arith.constant 0 : i32
      %swap3A_757 = arith.constant 8 : index
      %swap3A_758 = memref.load %arg6[%swap3A_757] : memref<11xi32, #tpu.memory_space<smem>>
      memref.store %swap3A_756, %arg6[%swap3A_757] : memref<11xi32, #tpu.memory_space<smem>>
    } else {
    }
    %le3A_735 = arith.constant 9 : i32
    %le3A_736 = arith.cmpi sle, %add3A_710, %le3A_735 : i32
    %convert_element_type3A_737 = arith.extui %le3A_736 : i1 to i32
    %cond3A_738 = arith.constant 0 : i32
    %cond3A_739 = arith.cmpi ne, %convert_element_type3A_737, %cond3A_738 : i32
    scf.if %cond3A_739 {
      %swap3A_745 = arith.constant 3 : i32
      %swap3A_746 = arith.constant 9 : index
      %swap3A_747 = memref.load %arg2[%swap3A_746] : memref<11xi32, #tpu.memory_space<smem>>
      memref.store %swap3A_745, %arg2[%swap3A_746] : memref<11xi32, #tpu.memory_space<smem>>
      %swap3A_748 = arith.constant 9 : index
      %swap3A_749 = memref.load %arg3[%swap3A_748] : memref<11xi32, #tpu.memory_space<smem>>
      memref.store %select_n3A_708, %arg3[%swap3A_748] : memref<11xi32, #tpu.memory_space<smem>>
      %swap3A_750 = arith.constant 0 : i32
      %swap3A_751 = arith.constant 9 : index
      %swap3A_752 = memref.load %arg4[%swap3A_751] : memref<11xi32, #tpu.memory_space<smem>>
      memref.store %swap3A_750, %arg4[%swap3A_751] : memref<11xi32, #tpu.memory_space<smem>>
      %swap3A_753 = arith.constant 0 : i32
      %swap3A_754 = arith.constant 9 : index
      %swap3A_755 = memref.load %arg5[%swap3A_754] : memref<11xi32, #tpu.memory_space<smem>>
      memref.store %swap3A_753, %arg5[%swap3A_754] : memref<11xi32, #tpu.memory_space<smem>>
      %swap3A_756 = arith.constant 0 : i32
      %swap3A_757 = arith.constant 9 : index
      %swap3A_758 = memref.load %arg6[%swap3A_757] : memref<11xi32, #tpu.memory_space<smem>>
      memref.store %swap3A_756, %arg6[%swap3A_757] : memref<11xi32, #tpu.memory_space<smem>>
    } else {
    }
    %le3A_740 = arith.constant 10 : i32
    %le3A_741 = arith.cmpi sle, %add3A_710, %le3A_740 : i32
    %convert_element_type3A_742 = arith.extui %le3A_741 : i1 to i32
    %cond3A_743 = arith.constant 0 : i32
    %cond3A_744 = arith.cmpi ne, %convert_element_type3A_742, %cond3A_743 : i32
    scf.if %cond3A_744 {
      %swap3A_745 = arith.constant 3 : i32
      %swap3A_746 = arith.constant 10 : index
      %swap3A_747 = memref.load %arg2[%swap3A_746] : memref<11xi32, #tpu.memory_space<smem>>
      memref.store %swap3A_745, %arg2[%swap3A_746] : memref<11xi32, #tpu.memory_space<smem>>
      %swap3A_748 = arith.constant 10 : index
      %swap3A_749 = memref.load %arg3[%swap3A_748] : memref<11xi32, #tpu.memory_space<smem>>
      memref.store %select_n3A_708, %arg3[%swap3A_748] : memref<11xi32, #tpu.memory_space<smem>>
      %swap3A_750 = arith.constant 0 : i32
      %swap3A_751 = arith.constant 10 : index
      %swap3A_752 = memref.load %arg4[%swap3A_751] : memref<11xi32, #tpu.memory_space<smem>>
      memref.store %swap3A_750, %arg4[%swap3A_751] : memref<11xi32, #tpu.memory_space<smem>>
      %swap3A_753 = arith.constant 0 : i32
      %swap3A_754 = arith.constant 10 : index
      %swap3A_755 = memref.load %arg5[%swap3A_754] : memref<11xi32, #tpu.memory_space<smem>>
      memref.store %swap3A_753, %arg5[%swap3A_754] : memref<11xi32, #tpu.memory_space<smem>>
      %swap3A_756 = arith.constant 0 : i32
      %swap3A_757 = arith.constant 10 : index
      %swap3A_758 = memref.load %arg6[%swap3A_757] : memref<11xi32, #tpu.memory_space<smem>>
      memref.store %swap3A_756, %arg6[%swap3A_757] : memref<11xi32, #tpu.memory_space<smem>>
    } else {
    }
    return
  }
}

</mosaic_0001>

<sc_bundles>
// kernel: kernel.6.cloned.1.call-start
scs
__scs_entry_jumppad:
0x0: {  	(pc) =	sbr.rel $0x88, $3  }
0x1: {  	(tag) =	ssettag $0x0;
	lr =	simm.s32 $0x1  }
0x2: {  	[smem:$0x3F9E] =	sst lr;
	_ =	strace $0xD0000000  }
0x3: {  	_ = 	snop  }
0x4: {  	_ = 	snop  }
0x5: {  	_ = 	snop  }
0x6: {  	_ = 	snop  }
0x7: {  	_ = 	snop  }
__scs_overlays_trampoline_lowered:
0x8: {  	[smem:$0x3FAD] =	sst s0  }
0x9: {  	[smem:$0x3FAE] =	sst s1  }
0xa: {  	[smem:$0x3FAF] =	sst s2  }
0xb: {  	[smem:$0x3FB0] =	sst s3  }
0xc: {  	[smem:$0x3FB1] =	sst s4  }
0xd: {  	[smem:$0x3FB2] =	sst s5  }
0xe: {  	[smem:$0x3FB3] =	sst s6  }
0xf: {  	[smem:$0x3FB4] =	sst s7  }
0x10: {  	[smem:$0x3FB5] =	sst s8  }
0x11: {  	[smem:$0x3FB6] =	sst s9;
	s0 =	simm.s32 @!p0 $0x0  }
0x12: {  	s1 =	sld [smem:$0x3F9C];
	s0 =	simm.s32 @p0 $0x1  }
0x13: {  	[smem:$0x3FB7] =	sst s0;
	s0 =	simm.s32 @!p1 $0x0  }
0x14: {  	s2 =	sld [smem:$0x3F9B];
	s0 =	simm.s32 @p1 $0x1  }
0x15: {  	[smem:$0x3FB8] =	sst s0;
	s0 =	simm.s32 @!p2 $0x0  }
0x16: {  	s3 =	sld [smem:$0x3FDB];
	s0 =	simm.s32 @p2 $0x1  }
0x17: {  	s4 =	simm.s32 $0x1BF5;
	[smem:$0x3FBA] =	sst s0  }
0x18: {  	s0 =	sld [smem:$0x3F9D];
	_ =	swait.ge [sflag:s4], $0x0  }
0x19: {  	s7 =	sld [smem:$0x3F9E]  }
0x1a: {  	s8 =	sadd.s32 $0xFFFFE003, lr  }
0x1b: {  	s9 =	sadd.s32 $0xFFFFFEF7, lr;
	s5 =	simm.s32 $0xFFFFFFFF;
	p2 =	slt.u32 s8, $0xFFFFF086  }
0x1c: {  	p1 =	slt.u32 s9, $0xF7A;
	s5 =	simm.s32 @!p2 $0x0  }
0x1d: {  	s5 =	simm.s32 @p1 $0x1;
	p0 =	seq.s32 s7, s2  }
0x1e: {  	s7 =	smul.u32 @!p0 $0xF7A, s2;
	p2 =	seq.s32 @!p0 s5, $0x0  }
0x1f: {  	s9 =	smul.u32 $0xF7A, s1;
	s8 =	simm.s32 @!p0 $0x1BF5;
	p2 =	por !p2, p0  }
0x20: {  	[sflag:s8] =	ssyncset.s32 @!p0 $0xFFFFF086;
	s6 =	sadd.s32 @!p0 s3, s7;
	s7 =	simm.s32 @!p0 $0x108  }
0x21: {  	s3 =	sadd.s32 s3, s9;
	s6 =	sadd.s32 @!p0 $0x88, s6;
	s7 =	simm.s32 @p2 $0x1082  }
0x22: {  	[simem:s7], [sflag:s8] =	dma.local @!p0 [hbm:s6], $0xF7A  }
0x23: {  	s9 =	sor.u32 $0xD0000000, s2;
	s6 =	simm.s32 $0x108;
	_ =	swait.ge @!p0 [sflag:s8], $0x0  }
0x24: {  	s3 =	sadd.s32 $0x88, s3;
	s6 =	simm.s32 @!p1 $0x1082;
	[sflag:s4] =	ssyncset.s32 $0xFFFFF086  }
0x25: {  	[simem:s6], [sflag:s4] =	dma.local [hbm:s3], $0xF7A  }
0x26: {  	[smem:$0x3F9E] =	sst s1;
	(tag) =	ssettag s2;
	_ =	strace s9  }
0x27: {  	s1 =	sld [smem:$0x3FAE]  }
0x28: {  	s2 =	sld [smem:$0x3FAF]  }
0x29: {  	s4 =	sld [smem:$0x3FB1]  }
0x2a: {  	p0 =	seq.s32 s5, $0x0;
	s5 =	sld [smem:$0x3FB2]  }
0x2b: {  	s6 =	sld [smem:$0x3FB3]  }
0x2c: {  	s7 =	sld [smem:$0x3FB4]  }
0x2d: {  	s3 =	simm.s32 $0x108;
	s8 =	sld [smem:$0x3FB5]  }
0x2e: {  	s3 =	simm.s32 @!p0 $0x1082;
	s9 =	sld [smem:$0x3FB6]  }
0x2f: {  	lr =	sadd.s32 s0, s3;
	s0 =	sld [smem:$0x3FAD]  }
0x30: {  	s3 =	sld [smem:$0x3FB0]  }
0x31: {  	[smem:$0x3FB9] =	sst s10  }
0x32: {  	s10 =	sld [smem:$0x3FB7];
	_ =	sdelay $0x3  }
0x33: {  	p0 =	seq.s32 s10, $0x1;
	s10 =	sld [smem:$0x3FB9];
	_ =	sdelay $0x3  }
0x34: {  	[smem:$0x3FB9] =	sst s10  }
0x35: {  	s10 =	sld [smem:$0x3FB8];
	_ =	sdelay $0x3  }
0x36: {  	p1 =	seq.s32 s10, $0x1;
	s10 =	sld [smem:$0x3FB9];
	_ =	sdelay $0x3  }
0x37: {  	[smem:$0x3FB9] =	sst s10  }
0x38: {  	s10 =	sld [smem:$0x3FBA]  }
0x39: {  	_ = 	snop;
	(pc) =	sbr.ind lr, $3  }
0x3a: {  	_ = 	snop  }
0x3b: {  	_ = 	snop  }
0x3c: {  	p2 =	seq.s32 s10, $0x1;
	s10 =	sld [smem:$0x3FB9]  }
0x3d: {  	_ =	shalt  }
0x3e: {  	_ =	shalt  }
0x3f: {  	_ =	shalt  }
0x40: {  	_ =	shalt  }
0x41: {  	_ =	shalt  }
0x42: {  	_ =	shalt  }
0x43: {  	_ =	shalt  }
0x44: {  	_ =	shalt  }
0x45: {  	_ =	shalt  }
0x46: {  	_ =	shalt  }
0x47: {  	_ =	shalt  }
0x48: {  	_ =	shalt  }
0x49: {  	_ =	shalt  }
0x4a: {  	_ =	shalt  }
0x4b: {  	_ =	shalt  }
0x4c: {  	_ =	shalt  }
0x4d: {  	_ =	shalt  }
0x4e: {  	_ =	shalt  }
0x4f: {  	_ =	shalt  }
0x50: {  	_ =	shalt  }
0x51: {  	_ =	shalt  }
0x52: {  	_ =	shalt  }
0x53: {  	_ =	shalt  }
0x54: {  	_ =	shalt  }
0x55: {  	_ =	shalt  }
0x56: {  	_ =	shalt  }
0x57: {  	_ =	shalt  }
0x58: {  	_ =	shalt  }
0x59: {  	_ =	shalt  }
0x5a: {  	_ =	shalt  }
0x5b: {  	_ =	shalt  }
0x5c: {  	_ =	shalt  }
0x5d: {  	_ =	shalt  }
0x5e: {  	_ =	shalt  }
0x5f: {  	_ =	shalt  }
0x60: {  	_ =	shalt  }
0x61: {  	_ =	shalt  }
0x62: {  	_ =	shalt  }
0x63: {  	_ =	shalt  }
0x64: {  	_ =	shalt  }
0x65: {  	_ =	shalt  }
0x66: {  	_ =	shalt  }
0x67: {  	_ =	shalt  }
0x68: {  	_ =	shalt  }
0x69: {  	_ =	shalt  }
0x6a: {  	_ =	shalt  }
0x6b: {  	_ =	shalt  }
0x6c: {  	_ =	shalt  }
0x6d: {  	_ =	shalt  }
0x6e: {  	_ =	shalt  }
0x6f: {  	_ =	shalt  }
0x70: {  	_ =	shalt  }
0x71: {  	_ =	shalt  }
0x72: {  	_ =	shalt  }
0x73: {  	_ =	shalt  }
0x74: {  	_ =	shalt  }
0x75: {  	_ =	shalt  }
0x76: {  	_ =	shalt  }
0x77: {  	_ =	shalt  }
0x78: {  	_ =	shalt  }
0x79: {  	_ =	shalt  }
0x7a: {  	_ =	shalt  }
0x7b: {  	_ =	shalt  }
0x7c: {  	_ =	shalt  }
0x7d: {  	_ =	shalt  }
0x7e: {  	_ =	shalt  }
0x7f: {  	_ =	shalt  }
0x80: {  	_ =	shalt  }
0x81: {  	_ =	shalt  }
0x82: {  	_ =	shalt  }
0x83: {  	_ =	shalt  }
0x84: {  	_ =	shalt  }
0x85: {  	_ =	shalt  }
0x86: {  	_ =	shalt  }
0x87: {  	_ =	shalt  }
.Lfunc_end0:
.L_simem_size_0:
called_computation_lowered:
.L_overlay_start_0:
0x88: {  	s2 =	sld [smem:$0x3FD9]  }
0x89: {  	s3 =	sld [smem:$0x3FFE];
	_ =	sdelay $0x1  }
0x8a: {  	s1 =	srdreg.scid  }
0x8b: {  	s0 =	sand.u32 $0x1, s1  }
0x8c: {  	s17 =	sshll.u32 s0, $0xA;
	s2 =	sadd.s32 s3, s2  }
0x8d: {  	s2 =	sadd.s32 s2, s17  }
0x8e: {  	[smem:$0x3FC5] =	sst s2  }
0x8f: {  	_ = 	snop  }
0x90: {  	s2 =	sld [smem:$0x3FC9]  }
0x91: {  	s18 =	sld [smem:$0x3FD0];
	(tm) =	ssettm $0x1  }
0x92: {  	s4 =	sld [smem:$0x3FFB];
	_ =	sdelay $0x3  }
0x93: {  	_ =	strace s4  }
0x94: {  	s4 =	sld [smem:$0x3FFC];
	_ =	sdelay $0x3  }
0x95: {  	_ =	strace s4  }
0x96: {  	s4 =	sld [smem:$0x3FFD];
	_ =	sdelay $0x3  }
0x97: {  	_ =	strace s4  }
0x98: {  	_ =	strace $0x8FFFFFFF  }
0x99: {  	s19 =	sld [smem:$0x3FDB];
	_ =	sdelay $0x1  }
0x9a: {  	s5 =	simm.s32 $_scs_section_size  }
0x9b: {  	s6 =	simm.s32 $_size__tile_overlayer_lowered;
	s7 =	simm.s32 $_tile_overlayer_lowered  }
0x9c: {  	s22 =	simm.s32 $0x1BFF;
	s21 =	sshll.u32 s7, $0x1;
	s4 =	sadd.s32 s5, s19  }
0x9d: {  	s8 =	simm.s32 $0x0;
	s20 =	sshll.u32 s6, $0x1;
	s6 =	sadd.s32 s21, s4  }
0x9e: {  	[timem:s8], [sflag:s22] =	dma.local [hbm:s6], s20  }
0x9f: {  	_ =	swait.ge [sflag:s22], s20  }
0xa0: {  	s5 =	ssub.s32 $0x0, s20;
	[sflag:s22] =	ssyncset.done $0x0  }
0xa1: {  	[sflag:s22] =	ssyncadd.s32 s5;
	_ =	sdelay $0x1  }
0xa2: {  	s23 =	simm.s32 $0x1B8B  }
0xa3: {  	_ =	swait.ge [sflag:s23], $0x1  }
0xa4: {  	[sflag:s23] =	ssyncset.done $0x0  }
0xa5: {  	s25 =	simm.s32 $0x1B8E;
	s24 =	sld [smem:$0x3FFE];
	[sflag:s23] =	ssyncadd.s32 $0xFFFFFFFF  }
0xa6: {  	s26 =	simm.s32 $execute0_lowered;
	[smem:$0x3FD2] =	sst s25  }
0xa7: {  	s6 =	sshll.u32 s26, $0x1;
	_ =	strace $0x80000046;
	[dreg:$0x1] =	wrdreg $0xFFFFFFFF  }
0xa8: {  	s28 =	simm.s32 $_size_execute0_lowered;
	s4 =	sadd.s32 s4, s6;
	[dreg:$0x0] =	wrdreg $0x0  }
0xa9: {  	s6 =	sshll.u32 s28, $0x1;
	[dreg:$0x2] =	wrdreg s4  }
0xaa: {  	[dreg:$0x3] =	wrdreg s6  }
0xab: {  	[dreg:$0x4] =	wrdreg $0xC0  }
0xac: {  	_ =	task [dreg:s8], $0x5FFFF  }
0xad: {  	[dreg:$0x1] =	wrdreg $0xFFFFFFFF  }
0xae: {  	[dreg:$0x0] =	wrdreg $0x60  }
0xaf: {  	[dreg:$0x2] =	wrdreg s2  }
0xb0: {  	[dreg:$0x3] =	wrdreg s24  }
0xb1: {  	[dreg:$0x4] =	wrdreg s18  }
0xb2: {  	[dreg:$0x5] =	wrdreg $0x9  }
0xb3: {  	_ =	task.clear_ibuf [dreg:s8], $0x6FFFF;
	_ =	strace $0x90000046  }
0xb4: {  	s29 =	simm.s32 $0x9;
	_ =	strace $0x80000048  }
0xb5: {  	_ =	swait.ge [sflag:s29], $0x1  }
0xb6: {  	[sflag:s29] =	ssyncadd.s32 $0xFFFFFFFF  }
0xb7: {  	_ =	strace $0x90000048  }
0xb8: {  	_ =	sfence  }
0xb9: {  	s30 =	sld [smem:$0x0];
	_ =	sdelay $0x2  }
0xba: {  	s31 =	sshll.u32 s1, $0xD;
	s1 =	sshrl.u32 s1, $0x2  }
0xbb: {  	s3 =	sand.u32 $0x4000, s31;
	s1 =	sadd.s32 s1, s30  }
0xbc: {  	s0 =	sor.u32 s3, s0;
	s1 =	sshll.u32 s1, $0x11  }
0xbd: {  	s0 =	sor.u32 s1, s0  }
0xbe: {  	s0 =	sadd.s32 $0x8F2B, s0  }
0xbf: {  	[sflag:s0] =	ssyncadd.remote.s32 $0x1  }
0xc0: {  	_ =	sfence.sel $0xFFFF  }
0xc1: {  	[dreg:$0x0] =	wrdreg $0xFFFFFFFF;
	(pc) =	sbr.abs _section_cstart, $3  }
0xc2: {  	[dreg:$0x1] =	wrdreg $0xFFFFFFFF  }
0xc3: {  	_ =	task.clear_ibuf [dreg:s8], $0x2FFFF;
	_ =	strace $0x9FFFFFFF  }
0xc4: {  	(tm) =	ssettm $0x7FFFFFFF  }
0xc5: {  	_ =	shalt  }
tec
execute0_lowered:
.L_overlay_start_1:
0x0: {  	(tag) =	ssettag $0x1  }
0x1: {  	s4 =	rddreg [dreg:$0x0]  }
0x2: {  	s1 =	srdreg.scid;
	s5 =	rddreg [dreg:$0x1]  }
0x3: {  	s0 =	stileid.u32;
	s2 =	rddreg [dreg:$0x2];
	s17 =	simm.s32 $0x880  }
0x4: {  	s18 =	simm.s32 $0x1080;
	s19 =	simm.s32 $0x1880;
	s21 =	simm.s32 $0x2080  }
0x5: {  	s22 =	simm.s32 $0x2880;
	s23 =	simm.s32 $0x3080;
	s24 =	simm.s32 $0x3880  }
0x6: {  	s8 =	simm.s32 $0x4080;
	s25 =	simm.s32 $0x4880;
	s1 =	sand.u32 $0x1, s1  }
0x7: {  	s26 =	simm.s32 $0x5080;
	s3 =	sshll.u32 s0, $0x7;
	s6 =	sshll.u32 s1, $0x6  }
0x8: {  	s9 =	simm.s32 $0x80;
	s6 =	sor.u32 s6, s3;
	s3 =	simm.s32 $0x0  }
0x9: {  	s11 =	simm.s32 $0x6080;
	s12 =	simm.s32 $0x6880;
	[smem:$0x7FF] =	sst s3  }
0xa: {  	s13 =	simm.s32 $0x7080;
	_ =	strace $0x80000047;
	[dreg:$0x6] =	wrdreg s17  }
0xb: {  	s14 =	simm.s32 $0x7880;
	s15 =	simm.s32 $0x8080;
	[dreg:$0x7] =	wrdreg s18  }
0xc: {  	s16 =	simm.s32 $0x8880;
	s28 =	simm.s32 $0xE080;
	[dreg:$0x8] =	wrdreg s19  }
0xd: {  	s29 =	simm.s32 $0xE880;
	s30 =	simm.s32 $0xF080;
	[dreg:$0x9] =	wrdreg s21  }
0xe: {  	s31 =	simm.s32 $0xF880;
	s1 =	ssub.s32 $0x2, s1;
	[dreg:$0xa] =	wrdreg s22  }
0xf: {  	s20 =	sshrl.u32 s1, $0x1;
	s7 =	sshrl.u32 s6, $0x3;
	[dreg:$0xb] =	wrdreg s23  }
0x10: {  	s6 =	sshll.u32 s6, $0x7;
	s1 =	ssub.s32 s1, s20;
	[dreg:$0xc] =	wrdreg s24  }
0x11: {  	s20 =	simm.s32 $0xA880;
	s5 =	sadd.s32 s7, s5;
	[dreg:$0xd] =	wrdreg s8  }
0x12: {  	s4 =	sadd.s32 s4, s6;
	s6 =	sadd.s32 $0x300, s2;
	[dreg:$0xe] =	wrdreg s25  }
0x13: {  	s7 =	smax.u32 s1, $0x1;
	s8 =	simm.s32 $0x2;
	[dreg:$0xf] =	wrdreg s26  }
0x14: {  	s17 =	simm.s32 $0x9080;
	s18 =	simm.s32 $0x9880;
	s19 =	simm.s32 $0xA080  }
0x15: {  	s21 =	simm.s32 $0xB080;
	s22 =	simm.s32 $0xB880;
	s23 =	simm.s32 $0xC080  }
0x16: {  	v2 =	vlaneseq.u32;
	s24 =	simm.s32 $0xC880;
	s25 =	simm.s32 $0xD080;
	s26 =	simm.s32 $0xD880  }
0x17: {  	vm0 =	vmmov $0xffff;
	v1 =	vshrl.u32 v2, $0x3;
	s1 =	simm.s32 $0x1;
	s5 =	sadd.s32 $0x1200, s5;
	[dreg:$0x5] =	wrdreg s4  }
0x18: {  	v0 =	vand.u32 $0x7, v2;
	v2 =	vor.u32 $0x8, v2;
	v1 =	vmul.u32 $0x8, v1;
	s4 =	sadd.s32 $0x100, s2;
	[dreg:$0x4] =	wrdreg s5;
	s5 =	sadd.s32 $0x200, s2  }
.LBB2_1:
0x19: {  	s0 =	rddreg [dreg:$0x4]  }
0x1a: {  	[tilespmem:s3], [sflag:$0x2] =	stream.linear.gather [hbm4b:s0+s3], $0x40, $0x38;
	[tilespmem:$0x10080] =	vst v63  }
0x1b: {  	_ =	swait.ge [sflag:s8], $0x40  }
0x1c: {  	[sflag:s8] =	ssyncset.done $0x0  }
0x1d: {  	s10 =	rddreg [dreg:$0x5];
	[sflag:s8] =	ssyncadd.s32 $0xFFFFFFC0  }
0x1e: {  	[tilespmem:s9], [sflag:$0x2] =	stream.linear.gather [hbm4b:s10+s3], $0x10000, $0x38;
	[tilespmem:$0x10080] =	vst v63  }
0x1f: {  	_ =	swait.ge [sflag:s8], $0x10000  }
0x20: {  	[sflag:s8] =	ssyncset.done $0x0  }
0x21: {  	[sflag:s8] =	ssyncadd.s32 $0xFFFF0000  }
0x22: {  	v3 =	vld [tilespmem:$0x0];
	_ =	sdelay $0x4  }
0x23: {  	v4 =	vshll.u32 v3, $0x3  }
0x24: {  	v3 =	vand.u32 $0x7, v3;
	v4 =	vand.u32 $0xFFFFFFC0, v4  }
0x25: {  	v3 =	vor.u32 v3, v4  }
0x26: {  	v4 =	vperm.xlane v3, v0;
	_ =	sdelay $0x1  }
0x27: {  	v4 =	vadd.s32 v1, v4;
	_ =	sdelay $0x4  }
0x28: {  	[hbm4b:s2+s3] =	stream.indirect_vreg.scatter [tilespmem:s9], [sflag:$0x1], $0x80, v4, vm0, $0xb8;
	[tilespmem:$0x10080] =	vst v63  }
0x29: {  	s0 =	rddreg [dreg:$0x6];
	v3 =	vperm.xlane v3, v2  }
0x2a: {  	[hbm4b:s4+s3] =	stream.indirect_vreg.scatter [tilespmem:s0], [sflag:$0x1], $0x80, v4, vm0, $0xb8;
	[tilespmem:$0x10080] =	vst v63  }
0x2b: {  	s10 =	rddreg [dreg:$0x7];
	v3 =	vadd.s32 v1, v3  }
0x2c: {  	[hbm4b:s5+s3] =	stream.indirect_vreg.scatter [tilespmem:s10], [sflag:$0x1], $0x80, v4, vm0, $0xb8;
	[tilespmem:$0x10080] =	vst v63  }
0x2d: {  	s0 =	rddreg [dreg:$0x8]  }
0x2e: {  	[hbm4b:s6+s3] =	stream.indirect_vreg.scatter [tilespmem:s0], [sflag:$0x1], $0x80, v4, vm0, $0xb8;
	[tilespmem:$0x10080] =	vst v63  }
0x2f: {  	s10 =	rddreg [dreg:$0x9]  }
0x30: {  	[hbm4b:s2+s3] =	stream.indirect_vreg.scatter [tilespmem:s10], [sflag:$0x1], $0x80, v3, vm0, $0xb8;
	[tilespmem:$0x10080] =	vst v63  }
0x31: {  	s0 =	rddreg [dreg:$0xa]  }
0x32: {  	[hbm4b:s4+s3] =	stream.indirect_vreg.scatter [tilespmem:s0], [sflag:$0x1], $0x80, v3, vm0, $0xb8;
	[tilespmem:$0x10080] =	vst v63  }
0x33: {  	s10 =	rddreg [dreg:$0xb]  }
0x34: {  	[hbm4b:s5+s3] =	stream.indirect_vreg.scatter [tilespmem:s10], [sflag:$0x1], $0x80, v3, vm0, $0xb8;
	[tilespmem:$0x10080] =	vst v63  }
0x35: {  	s0 =	rddreg [dreg:$0xc]  }
0x36: {  	[hbm4b:s6+s3] =	stream.indirect_vreg.scatter [tilespmem:s0], [sflag:$0x1], $0x80, v3, vm0, $0xb8;
	[tilespmem:$0x10080] =	vst v63  }
0x37: {  	v3 =	vld [tilespmem:$0x10];
	_ =	sdelay $0x4  }
0x38: {  	v61 =	vshll.u32 v3, $0x3  }
0x39: {  	v3 =	vand.u32 $0x7, v3;
	v4 =	vand.u32 $0xFFFFFFC0, v61  }
0x3a: {  	v3 =	vor.u32 v3, v4  }
0x3b: {  	v4 =	vperm.xlane v3, v0;
	_ =	sdelay $0x1  }
0x3c: {  	v4 =	vadd.s32 v1, v4;
	_ =	sdelay $0x3  }
0x3d: {  	s0 =	rddreg [dreg:$0xd]  }
0x3e: {  	[hbm4b:s2+s3] =	stream.indirect_vreg.scatter [tilespmem:s0], [sflag:$0x1], $0x80, v4, vm0, $0xb8;
	[tilespmem:$0x10080] =	vst v63  }
0x3f: {  	s10 =	rddreg [dreg:$0xe];
	v3 =	vperm.xlane v3, v2  }
0x40: {  	[hbm4b:s4+s3] =	stream.indirect_vreg.scatter [tilespmem:s10], [sflag:$0x1], $0x80, v4, vm0, $0xb8;
	[tilespmem:$0x10080] =	vst v63  }
0x41: {  	v3 =	vadd.s32 v1, v3;
	s0 =	rddreg [dreg:$0xf]  }
0x42: {  	[hbm4b:s5+s3] =	stream.indirect_vreg.scatter [tilespmem:s0], [sflag:$0x1], $0x80, v4, vm0, $0xb8;
	[tilespmem:$0x10080] =	vst v63  }
0x43: {  	s10 =	simm.s32 $0x5880  }
0x44: {  	[hbm4b:s6+s3] =	stream.indirect_vreg.scatter [tilespmem:s10], [sflag:$0x1], $0x80, v4, vm0, $0xb8;
	[tilespmem:$0x10080] =	vst v63  }
0x45: {  	_ = 	snop  }
0x46: {  	[hbm4b:s2+s3] =	stream.indirect_vreg.scatter [tilespmem:s11], [sflag:$0x1], $0x80, v3, vm0, $0xb8;
	[tilespmem:$0x10080] =	vst v63  }
0x47: {  	_ = 	snop  }
0x48: {  	[hbm4b:s4+s3] =	stream.indirect_vreg.scatter [tilespmem:s12], [sflag:$0x1], $0x80, v3, vm0, $0xb8;
	[tilespmem:$0x10080] =	vst v63  }
0x49: {  	_ = 	snop  }
0x4a: {  	[hbm4b:s5+s3] =	stream.indirect_vreg.scatter [tilespmem:s13], [sflag:$0x1], $0x80, v3, vm0, $0xb8;
	[tilespmem:$0x10080] =	vst v63  }
0x4b: {  	_ = 	snop  }
0x4c: {  	[hbm4b:s6+s3] =	stream.indirect_vreg.scatter [tilespmem:s14], [sflag:$0x1], $0x80, v3, vm0, $0xb8;
	[tilespmem:$0x10080] =	vst v63  }
0x4d: {  	v3 =	vld [tilespmem:$0x20];
	_ =	sdelay $0x4  }
0x4e: {  	v62 =	vshll.u32 v3, $0x3  }
0x4f: {  	v3 =	vand.u32 $0x7, v3;
	v4 =	vand.u32 $0xFFFFFFC0, v62  }
0x50: {  	v3 =	vor.u32 v3, v4  }
0x51: {  	v4 =	vperm.xlane v3, v0;
	_ =	sdelay $0x1  }
0x52: {  	v4 =	vadd.s32 v1, v4;
	_ =	sdelay $0x4  }
0x53: {  	[hbm4b:s2+s3] =	stream.indirect_vreg.scatter [tilespmem:s15], [sflag:$0x1], $0x80, v4, vm0, $0xb8;
	[tilespmem:$0x10080] =	vst v63  }
0x54: {  	v3 =	vperm.xlane v3, v2  }
0x55: {  	[hbm4b:s4+s3] =	stream.indirect_vreg.scatter [tilespmem:s16], [sflag:$0x1], $0x80, v4, vm0, $0xb8;
	[tilespmem:$0x10080] =	vst v63  }
0x56: {  	v3 =	vadd.s32 v1, v3  }
0x57: {  	[hbm4b:s5+s3] =	stream.indirect_vreg.scatter [tilespmem:s17], [sflag:$0x1], $0x80, v4, vm0, $0xb8;
	[tilespmem:$0x10080] =	vst v63  }
0x58: {  	_ = 	snop  }
0x59: {  	[hbm4b:s6+s3] =	stream.indirect_vreg.scatter [tilespmem:s18], [sflag:$0x1], $0x80, v4, vm0, $0xb8;
	[tilespmem:$0x10080] =	vst v63  }
0x5a: {  	_ = 	snop  }
0x5b: {  	[hbm4b:s2+s3] =	stream.indirect_vreg.scatter [tilespmem:s19], [sflag:$0x1], $0x80, v3, vm0, $0xb8;
	[tilespmem:$0x10080] =	vst v63  }
0x5c: {  	_ = 	snop  }
0x5d: {  	[hbm4b:s4+s3] =	stream.indirect_vreg.scatter [tilespmem:s20], [sflag:$0x1], $0x80, v3, vm0, $0xb8;
	[tilespmem:$0x10080] =	vst v63  }
0x5e: {  	_ = 	snop  }
0x5f: {  	[hbm4b:s5+s3] =	stream.indirect_vreg.scatter [tilespmem:s21], [sflag:$0x1], $0x80, v3, vm0, $0xb8;
	[tilespmem:$0x10080] =	vst v63  }
0x60: {  	_ = 	snop  }
0x61: {  	[hbm4b:s6+s3] =	stream.indirect_vreg.scatter [tilespmem:s22], [sflag:$0x1], $0x80, v3, vm0, $0xb8;
	[tilespmem:$0x10080] =	vst v63  }
0x62: {  	v3 =	vld [tilespmem:$0x30];
	_ =	sdelay $0x4  }
0x63: {  	v63 =	vshll.u32 v3, $0x3  }
0x64: {  	v3 =	vand.u32 $0x7, v3;
	v4 =	vand.u32 $0xFFFFFFC0, v63  }
0x65: {  	v3 =	vor.u32 v3, v4  }
0x66: {  	v4 =	vperm.xlane v3, v0;
	_ =	sdelay $0x1  }
0x67: {  	v4 =	vadd.s32 v1, v4;
	_ =	sdelay $0x4  }
0x68: {  	[hbm4b:s2+s3] =	stream.indirect_vreg.scatter [tilespmem:s23], [sflag:$0x1], $0x80, v4, vm0, $0xb8;
	[tilespmem:$0x10080] =	vst v63  }
0x69: {  	v3 =	vperm.xlane v3, v2  }
0x6a: {  	[hbm4b:s4+s3] =	stream.indirect_vreg.scatter [tilespmem:s24], [sflag:$0x1], $0x80, v4, vm0, $0xb8;
	[tilespmem:$0x10080] =	vst v63  }
0x6b: {  	v3 =	vadd.s32 v1, v3  }
0x6c: {  	[hbm4b:s5+s3] =	stream.indirect_vreg.scatter [tilespmem:s25], [sflag:$0x1], $0x80, v4, vm0, $0xb8;
	[tilespmem:$0x10080] =	vst v63  }
0x6d: {  	_ = 	snop  }
0x6e: {  	[hbm4b:s6+s3] =	stream.indirect_vreg.scatter [tilespmem:s26], [sflag:$0x1], $0x80, v4, vm0, $0xb8;
	[tilespmem:$0x10080] =	vst v63  }
0x6f: {  	_ = 	snop  }
0x70: {  	[hbm4b:s2+s3] =	stream.indirect_vreg.scatter [tilespmem:s28], [sflag:$0x1], $0x80, v3, vm0, $0xb8;
	[tilespmem:$0x10080] =	vst v63  }
0x71: {  	_ = 	snop  }
0x72: {  	[hbm4b:s4+s3] =	stream.indirect_vreg.scatter [tilespmem:s29], [sflag:$0x1], $0x80, v3, vm0, $0xb8;
	[tilespmem:$0x10080] =	vst v63  }
0x73: {  	p0 =	sne.s32 s7, $0x1  }
0x74: {  	[hbm4b:s5+s3] =	stream.indirect_vreg.scatter [tilespmem:s30], [sflag:$0x1], $0x80, v3, vm0, $0xb8;
	[tilespmem:$0x10080] =	vst v63  }
.Ltmp0:
0x75: {  	_ = 	snop;
	(pc) =	sbr.rel @p0 .LBB2_1-.Ltmp0, $4  }
0x76: {  	[hbm4b:s6+s3] =	stream.indirect_vreg.scatter [tilespmem:s31], [sflag:$0x1], $0x80, v3, vm0, $0xb8;
	[tilespmem:$0x10080] =	vst v63  }
0x77: {  	_ =	swait.ge [sflag:s1], $0x10000  }
0x78: {  	[sflag:s1] =	ssyncset.done $0x0  }
0x79: {  	s7 =	sadd.s32 $0xFFFFFFFF, s7;
	[sflag:s1] =	ssyncadd.s32 $0xFFFF0000  }
0x7a: {  	_ =	sfence.sel $0x180000  }
0x7b: {  	[bflag:$0x0] =	sbarrier.arrive $0xFFFF  }
0x7c: {  	_ =	strace $0x90000047  }
0x7d: {  	s0 =	stileid.u32;
	[bflag:$0x2] =	sbarrier.arrive $0xFFFF  }
0x7e: {  	p0 =	sne.s32 s0, $0x0;
	s0 =	rddreg [dreg:$0x3]  }
0x7f: {  	s0 =	sadd.s32 @!p0 $0x100000, s0  }
0x80: {  	[sflag:s0] =	ssyncadd.tile.s32 @!p0 $0x1;
	_ =	shalt  }
.Lfunc_end2:
_tile_overlayer_lowered:
.L_overlay_start_2:
0x81: {  	(tag) =	ssettag $0x2  }
0x82: {  	s0 =	rddreg [dreg:$0x0];
	s2 =	stileid.u32  }
0x83: {  	s1 =	rddreg [dreg:$0x1];
	p0 =	sne.s32 s2, $0x0  }
0x84: {  	s3 =	rddreg [dreg:$0x2];
	[bflag:$0x3] =	sbarrier.arrive $0xFFFF;
	s2 =	simm.s32 @!p0 $0x1C02  }
0x85: {  	[timem:s3], [sflag:s2] =	dma.local @!p0 [hbm:s0], s1  }
0x86: {  	s0 =	simm.s32 @!p0 $0x2  }
0x87: {  	_ =	swait.ge @!p0 [sflag:s0], s1  }
0x88: {  	s1 =	ssub.s32 @!p0 $0x0, s1;
	[sflag:s0] =	ssyncset.done @!p0 $0x0  }
0x89: {  	[sflag:s0] =	ssyncadd.s32 @!p0 s1  }
0x8a: {  	[bflag:$0x3] =	sbarrier.arrive $0xFFFF  }
0x8b: {  	_ =	shalt  }

// kernel: kernel.9.cloned.1.call-start
scs
__scs_entry_jumppad:
0x0: {  	(pc) =	sbr.rel $0x88, $3  }
0x1: {  	(tag) =	ssettag $0x0;
	lr =	simm.s32 $0x1  }
0x2: {  	[smem:$0x3F9E] =	sst lr;
	_ =	strace $0xD0000000  }
0x3: {  	_ = 	snop  }
0x4: {  	_ = 	snop  }
0x5: {  	_ = 	snop  }
0x6: {  	_ = 	snop  }
0x7: {  	_ = 	snop  }
__scs_overlays_trampoline_lowered:
0x8: {  	[smem:$0x3FAD] =	sst s0  }
0x9: {  	[smem:$0x3FAE] =	sst s1  }
0xa: {  	[smem:$0x3FAF] =	sst s2  }
0xb: {  	[smem:$0x3FB0] =	sst s3  }
0xc: {  	[smem:$0x3FB1] =	sst s4  }
0xd: {  	[smem:$0x3FB2] =	sst s5  }
0xe: {  	[smem:$0x3FB3] =	sst s6  }
0xf: {  	[smem:$0x3FB4] =	sst s7  }
0x10: {  	[smem:$0x3FB5] =	sst s8  }
0x11: {  	[smem:$0x3FB6] =	sst s9;
	s0 =	simm.s32 @!p0 $0x0  }
0x12: {  	s1 =	sld [smem:$0x3F9C];
	s0 =	simm.s32 @p0 $0x1  }
0x13: {  	[smem:$0x3FB7] =	sst s0;
	s0 =	simm.s32 @!p1 $0x0  }
0x14: {  	s2 =	sld [smem:$0x3F9B];
	s0 =	simm.s32 @p1 $0x1  }
0x15: {  	[smem:$0x3FB8] =	sst s0;
	s0 =	simm.s32 @!p2 $0x0  }
0x16: {  	s3 =	sld [smem:$0x3FDB];
	s0 =	simm.s32 @p2 $0x1  }
0x17: {  	s4 =	simm.s32 $0x1BF5;
	[smem:$0x3FBA] =	sst s0  }
0x18: {  	s0 =	sld [smem:$0x3F9D];
	_ =	swait.ge [sflag:s4], $0x0  }
0x19: {  	s7 =	sld [smem:$0x3F9E]  }
0x1a: {  	s8 =	sadd.s32 $0xFFFFE003, lr  }
0x1b: {  	s9 =	sadd.s32 $0xFFFFFEF7, lr;
	s5 =	simm.s32 $0xFFFFFFFF;
	p2 =	slt.u32 s8, $0xFFFFF086  }
0x1c: {  	p1 =	slt.u32 s9, $0xF7A;
	s5 =	simm.s32 @!p2 $0x0  }
0x1d: {  	s5 =	simm.s32 @p1 $0x1;
	p0 =	seq.s32 s7, s2  }
0x1e: {  	s7 =	smul.u32 @!p0 $0xF7A, s2;
	p2 =	seq.s32 @!p0 s5, $0x0  }
0x1f: {  	s9 =	smul.u32 $0xF7A, s1;
	s8 =	simm.s32 @!p0 $0x1BF5;
	p2 =	por !p2, p0  }
0x20: {  	[sflag:s8] =	ssyncset.s32 @!p0 $0xFFFFF086;
	s6 =	sadd.s32 @!p0 s3, s7;
	s7 =	simm.s32 @!p0 $0x108  }
0x21: {  	s3 =	sadd.s32 s3, s9;
	s6 =	sadd.s32 @!p0 $0x88, s6;
	s7 =	simm.s32 @p2 $0x1082  }
0x22: {  	[simem:s7], [sflag:s8] =	dma.local @!p0 [hbm:s6], $0xF7A  }
0x23: {  	s9 =	sor.u32 $0xD0000000, s2;
	s6 =	simm.s32 $0x108;
	_ =	swait.ge @!p0 [sflag:s8], $0x0  }
0x24: {  	s3 =	sadd.s32 $0x88, s3;
	s6 =	simm.s32 @!p1 $0x1082;
	[sflag:s4] =	ssyncset.s32 $0xFFFFF086  }
0x25: {  	[simem:s6], [sflag:s4] =	dma.local [hbm:s3], $0xF7A  }
0x26: {  	[smem:$0x3F9E] =	sst s1;
	(tag) =	ssettag s2;
	_ =	strace s9  }
0x27: {  	s1 =	sld [smem:$0x3FAE]  }
0x28: {  	s2 =	sld [smem:$0x3FAF]  }
0x29: {  	s4 =	sld [smem:$0x3FB1]  }
0x2a: {  	p0 =	seq.s32 s5, $0x0;
	s5 =	sld [smem:$0x3FB2]  }
0x2b: {  	s6 =	sld [smem:$0x3FB3]  }
0x2c: {  	s7 =	sld [smem:$0x3FB4]  }
0x2d: {  	s3 =	simm.s32 $0x108;
	s8 =	sld [smem:$0x3FB5]  }
0x2e: {  	s3 =	simm.s32 @!p0 $0x1082;
	s9 =	sld [smem:$0x3FB6]  }
0x2f: {  	lr =	sadd.s32 s0, s3;
	s0 =	sld [smem:$0x3FAD]  }
0x30: {  	s3 =	sld [smem:$0x3FB0]  }
0x31: {  	[smem:$0x3FB9] =	sst s10  }
0x32: {  	s10 =	sld [smem:$0x3FB7];
	_ =	sdelay $0x3  }
0x33: {  	p0 =	seq.s32 s10, $0x1;
	s10 =	sld [smem:$0x3FB9];
	_ =	sdelay $0x3  }
0x34: {  	[smem:$0x3FB9] =	sst s10  }
0x35: {  	s10 =	sld [smem:$0x3FB8];
	_ =	sdelay $0x3  }
0x36: {  	p1 =	seq.s32 s10, $0x1;
	s10 =	sld [smem:$0x3FB9];
	_ =	sdelay $0x3  }
0x37: {  	[smem:$0x3FB9] =	sst s10  }
0x38: {  	s10 =	sld [smem:$0x3FBA]  }
0x39: {  	_ = 	snop;
	(pc) =	sbr.ind lr, $3  }
0x3a: {  	_ = 	snop  }
0x3b: {  	_ = 	snop  }
0x3c: {  	p2 =	seq.s32 s10, $0x1;
	s10 =	sld [smem:$0x3FB9]  }
0x3d: {  	_ =	shalt  }
0x3e: {  	_ =	shalt  }
0x3f: {  	_ =	shalt  }
0x40: {  	_ =	shalt  }
0x41: {  	_ =	shalt  }
0x42: {  	_ =	shalt  }
0x43: {  	_ =	shalt  }
0x44: {  	_ =	shalt  }
0x45: {  	_ =	shalt  }
0x46: {  	_ =	shalt  }
0x47: {  	_ =	shalt  }
0x48: {  	_ =	shalt  }
0x49: {  	_ =	shalt  }
0x4a: {  	_ =	shalt  }
0x4b: {  	_ =	shalt  }
0x4c: {  	_ =	shalt  }
0x4d: {  	_ =	shalt  }
0x4e: {  	_ =	shalt  }
0x4f: {  	_ =	shalt  }
0x50: {  	_ =	shalt  }
0x51: {  	_ =	shalt  }
0x52: {  	_ =	shalt  }
0x53: {  	_ =	shalt  }
0x54: {  	_ =	shalt  }
0x55: {  	_ =	shalt  }
0x56: {  	_ =	shalt  }
0x57: {  	_ =	shalt  }
0x58: {  	_ =	shalt  }
0x59: {  	_ =	shalt  }
0x5a: {  	_ =	shalt  }
0x5b: {  	_ =	shalt  }
0x5c: {  	_ =	shalt  }
0x5d: {  	_ =	shalt  }
0x5e: {  	_ =	shalt  }
0x5f: {  	_ =	shalt  }
0x60: {  	_ =	shalt  }
0x61: {  	_ =	shalt  }
0x62: {  	_ =	shalt  }
0x63: {  	_ =	shalt  }
0x64: {  	_ =	shalt  }
0x65: {  	_ =	shalt  }
0x66: {  	_ =	shalt  }
0x67: {  	_ =	shalt  }
0x68: {  	_ =	shalt  }
0x69: {  	_ =	shalt  }
0x6a: {  	_ =	shalt  }
0x6b: {  	_ =	shalt  }
0x6c: {  	_ =	shalt  }
0x6d: {  	_ =	shalt  }
0x6e: {  	_ =	shalt  }
0x6f: {  	_ =	shalt  }
0x70: {  	_ =	shalt  }
0x71: {  	_ =	shalt  }
0x72: {  	_ =	shalt  }
0x73: {  	_ =	shalt  }
0x74: {  	_ =	shalt  }
0x75: {  	_ =	shalt  }
0x76: {  	_ =	shalt  }
0x77: {  	_ =	shalt  }
0x78: {  	_ =	shalt  }
0x79: {  	_ =	shalt  }
0x7a: {  	_ =	shalt  }
0x7b: {  	_ =	shalt  }
0x7c: {  	_ =	shalt  }
0x7d: {  	_ =	shalt  }
0x7e: {  	_ =	shalt  }
0x7f: {  	_ =	shalt  }
0x80: {  	_ =	shalt  }
0x81: {  	_ =	shalt  }
0x82: {  	_ =	shalt  }
0x83: {  	_ =	shalt  }
0x84: {  	_ =	shalt  }
0x85: {  	_ =	shalt  }
0x86: {  	_ =	shalt  }
0x87: {  	_ =	shalt  }
.Lfunc_end0:
.L_simem_size_0:
called_computation.1_lowered:
.L_overlay_start_0:
0x88: {  	s2 =	sld [smem:$0x3FD9]  }
0x89: {  	s3 =	sld [smem:$0x3FFE];
	_ =	sdelay $0x1  }
0x8a: {  	s1 =	srdreg.scid  }
0x8b: {  	s0 =	sand.u32 $0x1, s1  }
0x8c: {  	s17 =	sshll.u32 s0, $0xA;
	s2 =	sadd.s32 s3, s2  }
0x8d: {  	s2 =	sadd.s32 s2, s17  }
0x8e: {  	[smem:$0x3FC5] =	sst s2  }
0x8f: {  	_ = 	snop  }
0x90: {  	s2 =	sld [smem:$0x3FD0];
	(tm) =	ssettm $0x1  }
0x91: {  	s18 =	sld [smem:$0x3FFB];
	_ =	sdelay $0x3  }
0x92: {  	_ =	strace s18  }
0x93: {  	s3 =	sld [smem:$0x3FFC];
	_ =	sdelay $0x3  }
0x94: {  	_ =	strace s3  }
0x95: {  	s3 =	sld [smem:$0x3FFD];
	_ =	sdelay $0x3  }
0x96: {  	_ =	strace s3  }
0x97: {  	_ =	strace $0x8FFFFFFF  }
0x98: {  	s19 =	sld [smem:$0x3FDB];
	_ =	sdelay $0x1  }
0x99: {  	s4 =	simm.s32 $_scs_section_size  }
0x9a: {  	s5 =	simm.s32 $_size__tile_overlayer_lowered;
	s6 =	simm.s32 $_tile_overlayer_lowered  }
0x9b: {  	s22 =	simm.s32 $0x1BFF;
	s21 =	sshll.u32 s6, $0x1;
	s3 =	sadd.s32 s4, s19  }
0x9c: {  	s7 =	simm.s32 $0x0;
	s20 =	sshll.u32 s5, $0x1;
	s5 =	sadd.s32 s21, s3  }
0x9d: {  	[timem:s7], [sflag:s22] =	dma.local [hbm:s5], s20  }
0x9e: {  	_ =	swait.ge [sflag:s22], s20  }
0x9f: {  	s4 =	ssub.s32 $0x0, s20;
	[sflag:s22] =	ssyncset.done $0x0  }
0xa0: {  	[sflag:s22] =	ssyncadd.s32 s4;
	_ =	sdelay $0x1  }
0xa1: {  	s23 =	simm.s32 $0x1B8B  }
0xa2: {  	_ =	swait.ge [sflag:s23], $0x1  }
0xa3: {  	[sflag:s23] =	ssyncset.done $0x0  }
0xa4: {  	s25 =	simm.s32 $0x1B8E;
	s24 =	sld [smem:$0x3FFE];
	[sflag:s23] =	ssyncadd.s32 $0xFFFFFFFF  }
0xa5: {  	s26 =	simm.s32 $execute0_lowered;
	[smem:$0x3FD2] =	sst s25  }
0xa6: {  	s5 =	sshll.u32 s26, $0x1;
	_ =	strace $0x80000049;
	[dreg:$0x1] =	wrdreg $0xFFFFFFFF  }
0xa7: {  	s28 =	simm.s32 $_size_execute0_lowered;
	s3 =	sadd.s32 s3, s5;
	[dreg:$0x0] =	wrdreg $0x0  }
0xa8: {  	s5 =	sshll.u32 s28, $0x1;
	[dreg:$0x2] =	wrdreg s3  }
0xa9: {  	[dreg:$0x3] =	wrdreg s5  }
0xaa: {  	[dreg:$0x4] =	wrdreg $0xC0  }
0xab: {  	_ =	task [dreg:s7], $0x5FFFF  }
0xac: {  	[dreg:$0x1] =	wrdreg $0xFFFFFFFF  }
0xad: {  	[dreg:$0x0] =	wrdreg $0x60  }
0xae: {  	[dreg:$0x2] =	wrdreg s24  }
0xaf: {  	[dreg:$0x3] =	wrdreg s2  }
0xb0: {  	[dreg:$0x4] =	wrdreg $0x9  }
0xb1: {  	_ =	task.clear_ibuf [dreg:s7], $0x5FFFF;
	_ =	strace $0x90000049  }
0xb2: {  	s29 =	simm.s32 $0x9;
	_ =	strace $0x8000004B  }
0xb3: {  	_ =	swait.ge [sflag:s29], $0x1  }
0xb4: {  	[sflag:s29] =	ssyncadd.s32 $0xFFFFFFFF  }
0xb5: {  	_ =	strace $0x9000004B  }
0xb6: {  	_ =	sfence  }
0xb7: {  	s30 =	sld [smem:$0x0];
	_ =	sdelay $0x2  }
0xb8: {  	s31 =	sshll.u32 s1, $0xD;
	s1 =	sshrl.u32 s1, $0x2  }
0xb9: {  	s3 =	sand.u32 $0x4000, s31;
	s1 =	sadd.s32 s1, s30  }
0xba: {  	s0 =	sor.u32 s3, s0;
	s1 =	sshll.u32 s1, $0x11  }
0xbb: {  	s0 =	sor.u32 s1, s0  }
0xbc: {  	s0 =	sadd.s32 $0x8F2B, s0  }
0xbd: {  	[sflag:s0] =	ssyncadd.remote.s32 $0x1  }
0xbe: {  	_ =	sfence.sel $0xFFFF  }
0xbf: {  	[dreg:$0x0] =	wrdreg $0xFFFFFFFF;
	(pc) =	sbr.abs _section_cstart, $3  }
0xc0: {  	[dreg:$0x1] =	wrdreg $0xFFFFFFFF  }
0xc1: {  	_ =	task.clear_ibuf [dreg:s7], $0x2FFFF;
	_ =	strace $0x9FFFFFFF  }
0xc2: {  	(tm) =	ssettm $0x7FFFFFFF  }
0xc3: {  	_ =	shalt  }
tec
execute0_lowered:
.L_overlay_start_1:
0x0: {  	(tag) =	ssettag $0x1  }
0x1: {  	s1 =	srdreg.scid  }
0x2: {  	s0 =	stileid.u32;
	s6 =	rddreg [dreg:$0x0]  }
0x3: {  	s4 =	rddreg [dreg:$0x1];
	s18 =	simm.s32 $0x880;
	s19 =	simm.s32 $0x1080  }
0x4: {  	s20 =	simm.s32 $0x1880;
	s22 =	simm.s32 $0x2080;
	s23 =	simm.s32 $0x2880  }
0x5: {  	s7 =	simm.s32 $0x3080;
	s24 =	simm.s32 $0x3880;
	s8 =	simm.s32 $0x4080  }
0x6: {  	s25 =	simm.s32 $0x4880;
	s26 =	simm.s32 $0x5080;
	s1 =	sand.u32 $0x1, s1  }
0x7: {  	s9 =	simm.s32 $0x80;
	s2 =	sshll.u32 s0, $0x7;
	s3 =	sshll.u32 s1, $0x6  }
0x8: {  	s11 =	simm.s32 $0x6080;
	s3 =	sor.u32 s3, s2;
	s2 =	simm.s32 $0x0  }
0x9: {  	s12 =	simm.s32 $0x6880;
	s13 =	simm.s32 $0x7080;
	[smem:$0x7FF] =	sst s2  }
0xa: {  	s14 =	simm.s32 $0x7880;
	_ =	strace $0x8000004A;
	[dreg:$0x5] =	wrdreg s18  }
0xb: {  	s15 =	simm.s32 $0x8080;
	s16 =	simm.s32 $0x8880;
	[dreg:$0x6] =	wrdreg s19  }
0xc: {  	s17 =	simm.s32 $0x9080;
	s28 =	simm.s32 $0xE080;
	[dreg:$0x7] =	wrdreg s20  }
0xd: {  	s29 =	simm.s32 $0xE880;
	s30 =	simm.s32 $0xF080;
	[dreg:$0x8] =	wrdreg s22  }
0xe: {  	s31 =	simm.s32 $0xF880;
	s1 =	ssub.s32 $0x2, s1;
	[dreg:$0x9] =	wrdreg s23  }
0xf: {  	s21 =	sshrl.u32 s1, $0x1;
	s5 =	sshrl.u32 s3, $0x3;
	[dreg:$0xa] =	wrdreg s7  }
0x10: {  	s3 =	sshll.u32 s3, $0x7;
	s1 =	ssub.s32 s1, s21;
	[dreg:$0xb] =	wrdreg s24  }
0x11: {  	s21 =	simm.s32 $0xB080;
	s5 =	sadd.s32 s5, s6;
	[dreg:$0xc] =	wrdreg s8  }
0x12: {  	s3 =	sadd.s32 s4, s3;
	s4 =	sadd.s32 $0x1500, s6;
	[dreg:$0xd] =	wrdreg s25  }
0x13: {  	s7 =	smax.u32 s1, $0x1;
	s8 =	simm.s32 $0x2;
	[dreg:$0xe] =	wrdreg s26  }
0x14: {  	s18 =	simm.s32 $0x9880;
	s19 =	simm.s32 $0xA080;
	s20 =	simm.s32 $0xA880  }
0x15: {  	s22 =	simm.s32 $0xB880;
	s23 =	simm.s32 $0xC080;
	s24 =	simm.s32 $0xC880  }
0x16: {  	v2 =	vlaneseq.u32;
	s25 =	simm.s32 $0xD080;
	s26 =	simm.s32 $0xD880;
	s1 =	simm.s32 $0x1  }
0x17: {  	vm0 =	vmmov $0xffff;
	v1 =	vshrl.u32 v2, $0x3;
	s5 =	sadd.s32 $0x1200, s5;
	[dreg:$0x4] =	wrdreg s3;
	s3 =	sadd.s32 $0x1400, s6  }
0x18: {  	v0 =	vand.u32 $0x7, v2;
	v2 =	vor.u32 $0x8, v2;
	v1 =	vmul.u32 $0x8, v1;
	[dreg:$0x3] =	wrdreg s5;
	s5 =	sadd.s32 $0x1600, s6;
	s6 =	sadd.s32 $0x1700, s6  }
.LBB2_1:
0x19: {  	s0 =	rddreg [dreg:$0x3]  }
0x1a: {  	[tilespmem:s2], [sflag:$0x2] =	stream.linear.gather [hbm4b:s0+s2], $0x40, $0x38;
	[tilespmem:$0x10080] =	vst v63  }
0x1b: {  	_ =	swait.ge [sflag:s8], $0x40  }
0x1c: {  	[sflag:s8] =	ssyncset.done $0x0  }
0x1d: {  	[sflag:s8] =	ssyncadd.s32 $0xFFFFFFC0  }
0x1e: {  	v3 =	vld [tilespmem:$0x0];
	_ =	sdelay $0x4  }
0x1f: {  	v4 =	vshll.u32 v3, $0x3  }
0x20: {  	v3 =	vand.u32 $0x7, v3;
	v4 =	vand.u32 $0xFFFFFFC0, v4  }
0x21: {  	v3 =	vor.u32 v3, v4  }
0x22: {  	v4 =	vperm.xlane v3, v0;
	_ =	sdelay $0x1  }
0x23: {  	v4 =	vadd.s32 v1, v4;
	_ =	sdelay $0x4  }
0x24: {  	[tilespmem:s9], [sflag:$0x1] =	stream.indirect_vreg.gather [hbm4b:s3+s2], $0x80, v4, vm0, $0xb8;
	[tilespmem:$0x10080] =	vst v63  }
0x25: {  	s0 =	rddreg [dreg:$0x5];
	v3 =	vperm.xlane v3, v2  }
0x26: {  	[tilespmem:s0], [sflag:$0x1] =	stream.indirect_vreg.gather [hbm4b:s4+s2], $0x80, v4, vm0, $0xb8;
	[tilespmem:$0x10080] =	vst v63  }
0x27: {  	s10 =	rddreg [dreg:$0x6];
	v3 =	vadd.s32 v1, v3  }
0x28: {  	[tilespmem:s10], [sflag:$0x1] =	stream.indirect_vreg.gather [hbm4b:s5+s2], $0x80, v4, vm0, $0xb8;
	[tilespmem:$0x10080] =	vst v63  }
0x29: {  	s0 =	rddreg [dreg:$0x7]  }
0x2a: {  	[tilespmem:s0], [sflag:$0x1] =	stream.indirect_vreg.gather [hbm4b:s6+s2], $0x80, v4, vm0, $0xb8;
	[tilespmem:$0x10080] =	vst v63  }
0x2b: {  	s10 =	rddreg [dreg:$0x8]  }
0x2c: {  	[tilespmem:s10], [sflag:$0x1] =	stream.indirect_vreg.gather [hbm4b:s3+s2], $0x80, v3, vm0, $0xb8;
	[tilespmem:$0x10080] =	vst v63  }
0x2d: {  	s0 =	rddreg [dreg:$0x9]  }
0x2e: {  	[tilespmem:s0], [sflag:$0x1] =	stream.indirect_vreg.gather [hbm4b:s4+s2], $0x80, v3, vm0, $0xb8;
	[tilespmem:$0x10080] =	vst v63  }
0x2f: {  	s10 =	rddreg [dreg:$0xa]  }
0x30: {  	[tilespmem:s10], [sflag:$0x1] =	stream.indirect_vreg.gather [hbm4b:s5+s2], $0x80, v3, vm0, $0xb8;
	[tilespmem:$0x10080] =	vst v63  }
0x31: {  	s0 =	rddreg [dreg:$0xb]  }
0x32: {  	[tilespmem:s0], [sflag:$0x1] =	stream.indirect_vreg.gather [hbm4b:s6+s2], $0x80, v3, vm0, $0xb8;
	[tilespmem:$0x10080] =	vst v63  }
0x33: {  	v3 =	vld [tilespmem:$0x10];
	_ =	sdelay $0x4  }
0x34: {  	v61 =	vshll.u32 v3, $0x3  }
0x35: {  	v3 =	vand.u32 $0x7, v3;
	v4 =	vand.u32 $0xFFFFFFC0, v61  }
0x36: {  	v3 =	vor.u32 v3, v4  }
0x37: {  	v4 =	vperm.xlane v3, v0;
	_ =	sdelay $0x1  }
0x38: {  	v4 =	vadd.s32 v1, v4;
	_ =	sdelay $0x3  }
0x39: {  	s0 =	rddreg [dreg:$0xc]  }
0x3a: {  	[tilespmem:s0], [sflag:$0x1] =	stream.indirect_vreg.gather [hbm4b:s3+s2], $0x80, v4, vm0, $0xb8;
	[tilespmem:$0x10080] =	vst v63  }
0x3b: {  	s10 =	rddreg [dreg:$0xd];
	v3 =	vperm.xlane v3, v2  }
0x3c: {  	[tilespmem:s10], [sflag:$0x1] =	stream.indirect_vreg.gather [hbm4b:s4+s2], $0x80, v4, vm0, $0xb8;
	[tilespmem:$0x10080] =	vst v63  }
0x3d: {  	v3 =	vadd.s32 v1, v3;
	s0 =	rddreg [dreg:$0xe]  }
0x3e: {  	[tilespmem:s0], [sflag:$0x1] =	stream.indirect_vreg.gather [hbm4b:s5+s2], $0x80, v4, vm0, $0xb8;
	[tilespmem:$0x10080] =	vst v63  }
0x3f: {  	s10 =	simm.s32 $0x5880  }
0x40: {  	[tilespmem:s10], [sflag:$0x1] =	stream.indirect_vreg.gather [hbm4b:s6+s2], $0x80, v4, vm0, $0xb8;
	[tilespmem:$0x10080] =	vst v63  }
0x41: {  	_ = 	snop  }
0x42: {  	[tilespmem:s11], [sflag:$0x1] =	stream.indirect_vreg.gather [hbm4b:s3+s2], $0x80, v3, vm0, $0xb8;
	[tilespmem:$0x10080] =	vst v63  }
0x43: {  	_ = 	snop  }
0x44: {  	[tilespmem:s12], [sflag:$0x1] =	stream.indirect_vreg.gather [hbm4b:s4+s2], $0x80, v3, vm0, $0xb8;
	[tilespmem:$0x10080] =	vst v63  }
0x45: {  	_ = 	snop  }
0x46: {  	[tilespmem:s13], [sflag:$0x1] =	stream.indirect_vreg.gather [hbm4b:s5+s2], $0x80, v3, vm0, $0xb8;
	[tilespmem:$0x10080] =	vst v63  }
0x47: {  	_ = 	snop  }
0x48: {  	[tilespmem:s14], [sflag:$0x1] =	stream.indirect_vreg.gather [hbm4b:s6+s2], $0x80, v3, vm0, $0xb8;
	[tilespmem:$0x10080] =	vst v63  }
0x49: {  	v3 =	vld [tilespmem:$0x20];
	_ =	sdelay $0x4  }
0x4a: {  	v62 =	vshll.u32 v3, $0x3  }
0x4b: {  	v3 =	vand.u32 $0x7, v3;
	v4 =	vand.u32 $0xFFFFFFC0, v62  }
0x4c: {  	v3 =	vor.u32 v3, v4  }
0x4d: {  	v4 =	vperm.xlane v3, v0;
	_ =	sdelay $0x1  }
0x4e: {  	v4 =	vadd.s32 v1, v4;
	_ =	sdelay $0x4  }
0x4f: {  	[tilespmem:s15], [sflag:$0x1] =	stream.indirect_vreg.gather [hbm4b:s3+s2], $0x80, v4, vm0, $0xb8;
	[tilespmem:$0x10080] =	vst v63  }
0x50: {  	v3 =	vperm.xlane v3, v2  }
0x51: {  	[tilespmem:s16], [sflag:$0x1] =	stream.indirect_vreg.gather [hbm4b:s4+s2], $0x80, v4, vm0, $0xb8;
	[tilespmem:$0x10080] =	vst v63  }
0x52: {  	v3 =	vadd.s32 v1, v3  }
0x53: {  	[tilespmem:s17], [sflag:$0x1] =	stream.indirect_vreg.gather [hbm4b:s5+s2], $0x80, v4, vm0, $0xb8;
	[tilespmem:$0x10080] =	vst v63  }
0x54: {  	_ = 	snop  }
0x55: {  	[tilespmem:s18], [sflag:$0x1] =	stream.indirect_vreg.gather [hbm4b:s6+s2], $0x80, v4, vm0, $0xb8;
	[tilespmem:$0x10080] =	vst v63  }
0x56: {  	_ = 	snop  }
0x57: {  	[tilespmem:s19], [sflag:$0x1] =	stream.indirect_vreg.gather [hbm4b:s3+s2], $0x80, v3, vm0, $0xb8;
	[tilespmem:$0x10080] =	vst v63  }
0x58: {  	_ = 	snop  }
0x59: {  	[tilespmem:s20], [sflag:$0x1] =	stream.indirect_vreg.gather [hbm4b:s4+s2], $0x80, v3, vm0, $0xb8;
	[tilespmem:$0x10080] =	vst v63  }
0x5a: {  	_ = 	snop  }
0x5b: {  	[tilespmem:s21], [sflag:$0x1] =	stream.indirect_vreg.gather [hbm4b:s5+s2], $0x80, v3, vm0, $0xb8;
	[tilespmem:$0x10080] =	vst v63  }
0x5c: {  	_ = 	snop  }
0x5d: {  	[tilespmem:s22], [sflag:$0x1] =	stream.indirect_vreg.gather [hbm4b:s6+s2], $0x80, v3, vm0, $0xb8;
	[tilespmem:$0x10080] =	vst v63  }
0x5e: {  	v3 =	vld [tilespmem:$0x30];
	_ =	sdelay $0x4  }
0x5f: {  	v63 =	vshll.u32 v3, $0x3  }
0x60: {  	v3 =	vand.u32 $0x7, v3;
	v4 =	vand.u32 $0xFFFFFFC0, v63  }
0x61: {  	v3 =	vor.u32 v3, v4  }
0x62: {  	v4 =	vperm.xlane v3, v0;
	_ =	sdelay $0x1  }
0x63: {  	v4 =	vadd.s32 v1, v4;
	_ =	sdelay $0x4  }
0x64: {  	[tilespmem:s23], [sflag:$0x1] =	stream.indirect_vreg.gather [hbm4b:s3+s2], $0x80, v4, vm0, $0xb8;
	[tilespmem:$0x10080] =	vst v63  }
0x65: {  	v3 =	vperm.xlane v3, v2  }
0x66: {  	[tilespmem:s24], [sflag:$0x1] =	stream.indirect_vreg.gather [hbm4b:s4+s2], $0x80, v4, vm0, $0xb8;
	[tilespmem:$0x10080] =	vst v63  }
0x67: {  	v3 =	vadd.s32 v1, v3  }
0x68: {  	[tilespmem:s25], [sflag:$0x1] =	stream.indirect_vreg.gather [hbm4b:s5+s2], $0x80, v4, vm0, $0xb8;
	[tilespmem:$0x10080] =	vst v63  }
0x69: {  	_ = 	snop  }
0x6a: {  	[tilespmem:s26], [sflag:$0x1] =	stream.indirect_vreg.gather [hbm4b:s6+s2], $0x80, v4, vm0, $0xb8;
	[tilespmem:$0x10080] =	vst v63  }
0x6b: {  	_ = 	snop  }
0x6c: {  	[tilespmem:s28], [sflag:$0x1] =	stream.indirect_vreg.gather [hbm4b:s3+s2], $0x80, v3, vm0, $0xb8;
	[tilespmem:$0x10080] =	vst v63  }
0x6d: {  	_ = 	snop  }
0x6e: {  	[tilespmem:s29], [sflag:$0x1] =	stream.indirect_vreg.gather [hbm4b:s4+s2], $0x80, v3, vm0, $0xb8;
	[tilespmem:$0x10080] =	vst v63  }
0x6f: {  	_ = 	snop  }
0x70: {  	[tilespmem:s30], [sflag:$0x1] =	stream.indirect_vreg.gather [hbm4b:s5+s2], $0x80, v3, vm0, $0xb8;
	[tilespmem:$0x10080] =	vst v63  }
0x71: {  	_ = 	snop  }
0x72: {  	[tilespmem:s31], [sflag:$0x1] =	stream.indirect_vreg.gather [hbm4b:s6+s2], $0x80, v3, vm0, $0xb8;
	[tilespmem:$0x10080] =	vst v63  }
0x73: {  	_ =	swait.ge [sflag:s1], $0x10000  }
0x74: {  	p0 =	sne.s32 s7, $0x1;
	[sflag:s1] =	ssyncset.done $0x0  }
.Ltmp0:
0x75: {  	s10 =	rddreg [dreg:$0x4];
	[sflag:s1] =	ssyncadd.s32 $0xFFFF0000;
	(pc) =	sbr.rel @p0 .LBB2_1-.Ltmp0, $4  }
0x76: {  	[hbm4b:s10+s2] =	stream.linear.scatter [tilespmem:s9], [sflag:$0x2], $0x10000, $0x38;
	[tilespmem:$0x10080] =	vst v63  }
0x77: {  	_ =	swait.ge [sflag:s8], $0x10000  }
0x78: {  	[sflag:s8] =	ssyncset.done $0x0  }
0x79: {  	s7 =	sadd.s32 $0xFFFFFFFF, s7;
	[sflag:s8] =	ssyncadd.s32 $0xFFFF0000  }
0x7a: {  	_ =	sfence.sel $0x180000  }
0x7b: {  	[bflag:$0x0] =	sbarrier.arrive $0xFFFF  }
0x7c: {  	_ =	strace $0x9000004A  }
0x7d: {  	s0 =	stileid.u32;
	[bflag:$0x2] =	sbarrier.arrive $0xFFFF  }
0x7e: {  	p0 =	sne.s32 s0, $0x0;
	s0 =	rddreg [dreg:$0x2]  }
0x7f: {  	s0 =	sadd.s32 @!p0 $0x100000, s0  }
0x80: {  	[sflag:s0] =	ssyncadd.tile.s32 @!p0 $0x1;
	_ =	shalt  }
.Lfunc_end2:
_tile_overlayer_lowered:
.L_overlay_start_2:
0x81: {  	(tag) =	ssettag $0x2  }
0x82: {  	s0 =	rddreg [dreg:$0x0];
	s2 =	stileid.u32  }
0x83: {  	s1 =	rddreg [dreg:$0x1];
	p0 =	sne.s32 s2, $0x0  }
0x84: {  	s3 =	rddreg [dreg:$0x2];
	[bflag:$0x3] =	sbarrier.arrive $0xFFFF;
	s2 =	simm.s32 @!p0 $0x1C02  }
0x85: {  	[timem:s3], [sflag:s2] =	dma.local @!p0 [hbm:s0], s1  }
0x86: {  	s0 =	simm.s32 @!p0 $0x2  }
0x87: {  	_ =	swait.ge @!p0 [sflag:s0], s1  }
0x88: {  	s1 =	ssub.s32 @!p0 $0x0, s1;
	[sflag:s0] =	ssyncset.done @!p0 $0x0  }
0x89: {  	[sflag:s0] =	ssyncadd.s32 @!p0 s1  }
0x8a: {  	[bflag:$0x3] =	sbarrier.arrive $0xFFFF  }
0x8b: {  	_ =	shalt  }

</sc_bundles>
